<compile_context>
chip_gen: v7x
topology: tpu7x:2x2x1
jax: 0.10.2.dev20260603
libtpu: 0.0.44.dev20260713+nightly
codegen_flags: <defaults>
</compile_context>

<pallas_src>
import functools

import jax
import jax.numpy as jnp
from jax import lax
from jax.experimental import pallas as pl
from jax.experimental.pallas import tpu as pltpu
from jax.experimental.pallas import tpu_sc as plsc

LEVELS = 1024
T = 2048
D = 10000
SIGNAL_MIN = -5.0
SIGNAL_MAX = 5.0
SLICES = [(0, 3), (3, 9), (9, 12), (12, 15), (15, 18), (18, 21), (21, 24),
          (24, 27), (27, 30)]

NC = 2
NS = 16
NW = NC * NS
TPW = T // NW
LANES = 16
CH = D // LANES


def _sc_accum_body(idx_hbm, eidx_hbm, embed_hbm, keys_hbm, time_hbm,
                   out_hbm, idx_v, eidx_v, eb, tw, accg, acca, sem0, sem1):
    wid = lax.axis_index("s") * NC + lax.axis_index("c")
    base = wid * TPW
    pltpu.sync_copy(idx_hbm.at[pl.ds(base, TPW)], idx_v)
    pltpu.sync_copy(eidx_hbm.at[pl.ds(base, TPW)], eidx_v)

    def zbody(j, carry):
        z = jnp.zeros((LANES,), jnp.float32)
        s = pl.ds(j * LANES, LANES)
        acca[0, s] = z
        accg[0, s] = z
        tw[0, s] = z
        return carry

    lax.fori_loop(0, CH, zbody, 0)

    slots = [(eb.at[0], sem0), (eb.at[1], sem1)]

    def copies(t, b):
        ebs, sem = slots[b]
        v = idx_v[t, :]
        return [
            pltpu.make_async_copy(embed_hbm.at[eidx_v.at[t]],
                                  ebs.at[pl.ds(0, 3)], sem),
            pltpu.make_async_copy(keys_hbm.at[pl.ds(v[4], 1)],
                                  ebs.at[pl.ds(3, 1)], sem),
        ]

    def issue(t, b):
        for c in copies(t, b):
            c.start()

    def wait(t, b):
        for c in copies(t, b):
            c.wait()

    def close_group():
        def gbody(j, c2):
            s = pl.ds(j * LANES, LANES)
            acca[0, s] += accg[0, s] * tw[0, s]
            accg[0, s] = jnp.zeros((LANES,), jnp.float32)
            return c2

        lax.fori_loop(0, CH, gbody, 0)

    def process(t, b):
        ebs, _ = slots[b]
        v = idx_v[t, :]

        @pl.when(v[5] == 1)
        def _():
            close_group()
            pltpu.sync_copy(time_hbm.at[pl.ds(v[3], 1)], tw)

        def cbody(j, c2):
            s = pl.ds(j * LANES, LANES)
            e = ebs[0, s] + ebs[1, s] + ebs[2, s]
            accg[0, s] += e * ebs[3, s]
            return c2

        lax.fori_loop(0, CH, cbody, 0)

    issue(0, 0)
    issue(1, 1)

    def tbody(i, carry):
        t = 2 * i
        wait(t, 0)
        process(t, 0)
        issue(t + 2, 0)
        wait(t + 1, 1)
        process(t + 1, 1)
        issue(t + 3, 1)
        return carry

    lax.fori_loop(0, TPW // 2 - 1, tbody, 0)
    wait(TPW - 2, 0)
    process(TPW - 2, 0)
    wait(TPW - 1, 1)
    process(TPW - 1, 1)
    close_group()
    pltpu.sync_copy(acca, out_hbm.at[pl.ds(wid, 1)])


@functools.lru_cache(maxsize=1)
def _get_sc_accum():
    mesh = plsc.VectorSubcoreMesh(
        core_axis_name="c", subcore_axis_name="s",
        num_cores=NC, num_subcores=NS)
    return pl.kernel(
        _sc_accum_body,
        out_type=jax.ShapeDtypeStruct((NW, D), jnp.float32),
        mesh=mesh,
        scratch_types=[
            pltpu.VMEM((TPW, 16), jnp.int32),
            pltpu.VMEM((TPW, 3), jnp.int32),
            pltpu.VMEM((2, 4, D), jnp.float32),
            pltpu.VMEM((1, D), jnp.float32),
            pltpu.VMEM((1, D), jnp.float32),
            pltpu.VMEM((1, D), jnp.float32),
            pltpu.SemaphoreType.DMA,
            pltpu.SemaphoreType.DMA,
        ],
        compiler_params=pltpu.CompilerParams(use_tc_tiling_on_sc=False),
    )


def _tc_combine_body(partial_ref, f_ref, out_ref):
    s = jnp.sum(partial_ref[...], axis=0, keepdims=True)
    v = s * f_ref[...]
    out_ref[...] = jnp.where(v > 0, 1.0, -1.0).astype(jnp.float32)


def _level_idx(x, low, high, num):
    xc = jnp.clip(x, low, high)
    return jnp.round((xc - low) / (high - low) * (num - 1)).astype(jnp.int32)


def kernel(input, feat, embed_w, keys_w, time_w, w0, b0, w1, b1, w2, b2, w3,
           b3, w4, b4, w5, b5, w6, b6, w7, b7, w8, b8):
    eidx = _level_idx(input[:, 1:], SIGNAL_MIN, SIGNAL_MAX, LEVELS)
    tidx = _level_idx(input[:, 0], 0.0, float(T), T)

    tl = tidx.reshape(NW, TPW)
    order = jnp.argsort(tl, axis=1, stable=True).astype(jnp.int32)
    permg = order + (jnp.arange(NW, dtype=jnp.int32) * TPW)[:, None]
    pf = permg.reshape(-1)
    tsorted = tl[jnp.arange(NW)[:, None], order]
    prev = jnp.concatenate(
        [jnp.full((NW, 1), -1, jnp.int32), tsorted[:, :-1]], axis=1)
    newflag = (tsorted != prev).astype(jnp.int32).reshape(T, 1)
    eidxp = eidx[pf]
    idx16 = jnp.concatenate(
        [eidxp, tsorted.reshape(T, 1), pf.reshape(T, 1), newflag,
         jnp.zeros((T, 10), jnp.int32)], axis=1)

    partial = _get_sc_accum()(idx16, eidxp, embed_w, keys_w, time_w)

    ws = [w0, w1, w2, w3, w4, w5, w6, w7, w8]
    bs = [b0, b1, b2, b3, b4, b5, b6, b7, b8]
    fs = []
    for i, (lo, hi) in enumerate(SLICES):
        p = feat[lo:hi] @ ws[i].T
        fs.append(jnp.cos(p + bs[i]) * jnp.sin(p))
    ftot = fs[0] * (fs[1] + fs[8]) * (fs[2] + fs[3] + fs[4]) * (
        fs[5] + fs[6] + fs[7])

    out = pl.pallas_call(
        _tc_combine_body,
        out_shape=jax.ShapeDtypeStruct((1, D), jnp.float32),
        in_specs=[
            pl.BlockSpec((NW, D), lambda: (0, 0)),
            pl.BlockSpec((1, D), lambda: (0, 0)),
        ],
        out_specs=pl.BlockSpec((1, D), lambda: (0, 0)),
    )(partial, ftot.reshape(1, D))
    return out.reshape(D)

# --- scband reference (transcript-rebuilt; emitter-appended) ---
"""Pipeline reference for scband-hdc-level-encoder-3874060501325 (READ-ONLY COPY).

The authoritative reference and input builder live on the scoring server;
editing this copy changes nothing except your own understanding.
"""

import jax, jax.numpy as jnp
import numpy as np

LEVELS = 1024
TIMESTAMPS = 2048
D = 10000
SIGNAL_MIN = -5.0
SIGNAL_MAX = 5.0
SLICES = [(0, 3), (3, 9), (9, 12), (12, 15), (15, 18), (18, 21), (21, 24), (24, 27), (27, 30)]


def setup_inputs(seed: int = 0):
    key = jax.random.key(seed)
    ks = jax.random.split(key, 24)
    inp = {}
    inp["input"] = jax.random.normal(ks[0], (TIMESTAMPS, 4), dtype=jnp.float32)
    inp["feat"] = jax.random.normal(ks[1], (30,), dtype=jnp.float32)
    inp["embed_w"] = jnp.where(jax.random.uniform(ks[2], (LEVELS, D)) < 0.5, -1.0, 1.0).astype(jnp.float32)
    inp["keys_w"] = jnp.where(jax.random.uniform(ks[3], (TIMESTAMPS, D)) < 0.5, -1.0, 1.0).astype(jnp.float32)
    inp["time_w"] = jnp.where(jax.random.uniform(ks[4], (TIMESTAMPS, D)) < 0.5, -1.0, 1.0).astype(jnp.float32)
    for i, (s, e) in enumerate(SLICES):
        inp["w%d" % i] = jax.random.normal(ks[5 + i], (D, e - s), dtype=jnp.float32)
        inp["b%d" % i] = jax.random.uniform(ks[14 + i], (D,), dtype=jnp.float32, minval=0.0, maxval=2.0 * np.pi)
    return inp


def _level_index(x, low, high, num):
    xc = jnp.clip(x, low, high)
    return jnp.round((xc - low) / (high - low) * (num - 1)).astype(jnp.int32)


def _sinusoid(x, w, b):
    p = x @ w.T
    return jnp.cos(p + b) * jnp.sin(p)


def _forward(input, feat, embed_w, keys_w, time_w, ws, bs):
    # xyz signal channels -> level hypervectors (embedding gather)
    xyz = jnp.clip(input[:, 1:], SIGNAL_MIN, SIGNAL_MAX)
    xyz_idx = _level_index(xyz, SIGNAL_MIN, SIGNAL_MAX, LEVELS)  # [T, 3]
    xyz_levels = jnp.take(embed_w, xyz_idx, axis=0)  # [T, 3, D]
    xyz_level = jnp.sum(xyz_levels, axis=-2)  # multiset -> [T, D]
    key_weights = keys_w[: input.shape[0]]  # [T, D]
    sample_hvs = xyz_level * key_weights  # bind (MAP multiply)
    t_idx = _level_index(input[:, 0], 0.0, float(TIMESTAMPS), TIMESTAMPS)  # [T]
    times = jnp.take(time_w, t_idx, axis=0)  # [T, D]
    sample_hvs = sample_hvs * times
    sample_hv = jnp.sum(sample_hvs, axis=0)  # multiset -> [D]
    f = []
    for i, (s, e) in enumerate(SLICES):
        f.append(_sinusoid(feat[s:e], ws[i], bs[i]))
    sample_hv = sample_hv * f[0] * (f[1] + f[8]) * (f[2] + f[3] + f[4]) * (f[5] + f[6] + f[7])
    out = jnp.where(sample_hv > 0, 1.0, -1.0).astype(jnp.float32)  # hard_quantize
    return out.flatten()


def reference(input, feat, embed_w, keys_w, time_w, w0, b0, w1, b1, w2, b2, w3, b3, w4, b4, w5, b5, w6, b6, w7, b7, w8, b8):
    ws = [w0, w1, w2, w3, w4, w5, w6, w7, w8]
    bs = [b0, b1, b2, b3, b4, b5, b6, b7, b8]
    return _forward(input, feat, embed_w, keys_w, time_w, ws, bs)

if __name__ == "__main__":
    import jax
    _d = setup_inputs()
    print(jax.jit(kernel)(*tuple(_d.values())))

</pallas_src>

<mosaic_0001>
#map = affine_map<(d0, d1) -> (0, 0)>
module attributes {stable_mosaic.version = 14 : i64} {
  func.func @_sc_accum_body(%arg0: i32, %arg1: i32, %arg2: memref<2048x16xi32, #tpu.memory_space<hbm>>, %arg3: memref<2048x3xi32, #tpu.memory_space<hbm>>, %arg4: memref<1024x10000xf32, #tpu.memory_space<hbm>>, %arg5: memref<2048x10000xf32, #tpu.memory_space<hbm>>, %arg6: memref<2048x10000xf32, #tpu.memory_space<hbm>>, %arg7: memref<32x10000xf32, #tpu.memory_space<hbm>>, %arg8: memref<64x16xi32, #tpu.memory_space<vmem>>, %arg9: memref<64x3xi32, #tpu.memory_space<vmem>>, %arg10: memref<2x4x10000xf32, #tpu.memory_space<vmem>>, %arg11: memref<1x10000xf32, #tpu.memory_space<vmem>>, %arg12: memref<1x10000xf32, #tpu.memory_space<vmem>>, %arg13: memref<1x10000xf32, #tpu.memory_space<vmem>>, %arg14: memref<!tpu.dma_semaphore, #tpu.memory_space<semaphore_mem>>, %arg15: memref<!tpu.dma_semaphore, #tpu.memory_space<semaphore_mem>>) attributes {dimension_semantics = [#tpu.dimension_semantics<core_parallel>, #tpu.dimension_semantics<subcore_parallel>], iteration_bounds = array<i64: 2, 16>, scalar_prefetch = 0 : i64, scratch_operands = 8 : i64, tpu.core_type = #tpu.core_type<sc_vector_subcore>, window_params = [{transform_indices = #map}, {transform_indices = #map}, {transform_indices = #map}, {transform_indices = #map}, {transform_indices = #map}, {transform_indices = #map}]} {
    %mul3A = arith.constant 2 : i32
    %mul3A_0 = arith.muli %arg1, %mul3A : i32
    %add3A = arith.addi %mul3A_0, %arg0 : i32
    %mul3A_1 = arith.constant 64 : i32
    %mul3A_2 = arith.muli %add3A, %mul3A_1 : i32
    "tpu.region"() ({
      %run_scoped3A = tpu.sem_alloc : memref<!tpu.dma_semaphore, #tpu.memory_space<semaphore_mem>>
      %dma_start3A_216 = arith.constant 0 : i32
      %dma_start3A_217 = tpu.memref_slice %arg2[%mul3A_2, %dma_start3A_216] : memref<2048x16xi32, #tpu.memory_space<hbm>> -> memref<64x16xi32, #tpu.memory_space<hbm>>
      %dma_start3A_218 = arith.constant 0 : i32
      %dma_start3A_219 = tpu.memref_slice %arg2[%mul3A_2, %dma_start3A_218] : memref<2048x16xi32, #tpu.memory_space<hbm>> -> memref<64x16xi32, #tpu.memory_space<hbm>>
      tpu.enqueue_dma source(%dma_start3A_219 : memref<64x16xi32, #tpu.memory_space<hbm>>) target(%arg8 : memref<64x16xi32, #tpu.memory_space<vmem>>) target_semaphore(%run_scoped3A : memref<!tpu.dma_semaphore, #tpu.memory_space<semaphore_mem>>)
      %dma_wait3A_220 = arith.constant 0 : i32
      %dma_wait3A_221 = tpu.memref_slice %arg2[%mul3A_2, %dma_wait3A_220] : memref<2048x16xi32, #tpu.memory_space<hbm>> -> memref<64x16xi32, #tpu.memory_space<hbm>>
      %dma_wait3A_222 = arith.constant 0 : i32
      %dma_wait3A_223 = tpu.memref_slice %arg2[%mul3A_2, %dma_wait3A_222] : memref<2048x16xi32, #tpu.memory_space<hbm>> -> memref<64x16xi32, #tpu.memory_space<hbm>>
      tpu.wait_dma2 semaphore(%run_scoped3A : memref<!tpu.dma_semaphore, #tpu.memory_space<semaphore_mem>>) src(%dma_wait3A_223 : memref<64x16xi32, #tpu.memory_space<hbm>>) dst(%arg8 : memref<64x16xi32, #tpu.memory_space<vmem>>)
      tpu.yield
    }) : () -> ()
    "tpu.region"() ({
      %run_scoped3A = tpu.sem_alloc : memref<!tpu.dma_semaphore, #tpu.memory_space<semaphore_mem>>
      %dma_start3A_216 = arith.constant 0 : i32
      %dma_start3A_217 = tpu.memref_slice %arg3[%mul3A_2, %dma_start3A_216] : memref<2048x3xi32, #tpu.memory_space<hbm>> -> memref<64x3xi32, #tpu.memory_space<hbm>>
      %dma_start3A_218 = arith.constant 0 : i32
      %dma_start3A_219 = tpu.memref_slice %arg3[%mul3A_2, %dma_start3A_218] : memref<2048x3xi32, #tpu.memory_space<hbm>> -> memref<64x3xi32, #tpu.memory_space<hbm>>
      tpu.enqueue_dma source(%dma_start3A_219 : memref<64x3xi32, #tpu.memory_space<hbm>>) target(%arg9 : memref<64x3xi32, #tpu.memory_space<vmem>>) target_semaphore(%run_scoped3A : memref<!tpu.dma_semaphore, #tpu.memory_space<semaphore_mem>>)
      %dma_wait3A_220 = arith.constant 0 : i32
      %dma_wait3A_221 = tpu.memref_slice %arg3[%mul3A_2, %dma_wait3A_220] : memref<2048x3xi32, #tpu.memory_space<hbm>> -> memref<64x3xi32, #tpu.memory_space<hbm>>
      %dma_wait3A_222 = arith.constant 0 : i32
      %dma_wait3A_223 = tpu.memref_slice %arg3[%mul3A_2, %dma_wait3A_222] : memref<2048x3xi32, #tpu.memory_space<hbm>> -> memref<64x3xi32, #tpu.memory_space<hbm>>
      tpu.wait_dma2 semaphore(%run_scoped3A : memref<!tpu.dma_semaphore, #tpu.memory_space<semaphore_mem>>) src(%dma_wait3A_223 : memref<64x3xi32, #tpu.memory_space<hbm>>) dst(%arg9 : memref<64x3xi32, #tpu.memory_space<vmem>>)
      tpu.yield
    }) : () -> ()
    %scan3A = arith.constant 0 : i32
    %scan3A_3 = arith.constant 0 : i32
    %scan3A_4 = arith.constant 625 : i32
    %scan3A_5 = arith.addi %scan3A_3, %scan3A_4 : i32
    %scan3A_6 = arith.constant 1 : i32
    scf.for %scan3A_216 = %scan3A_3 to %scan3A_5 step %scan3A_6  : i32 {
      %broadcast_in_dim3A = arith.constant 0.000000e+00 : f32
      %broadcast_in_dim3A_217 = vector.broadcast %broadcast_in_dim3A : f32 to vector<16xf32>
      %mul3A_218 = arith.constant 16 : i32
      %mul3A_219 = arith.muli %scan3A_216, %mul3A_218 : i32
      %swap3A = arith.constant 0 : i32
      %swap3A_220 = arith.index_cast %swap3A : i32 to index
      %swap3A_221 = arith.index_cast %mul3A_219 : i32 to index
      %swap3A_222 = tpu.vector_load %arg13[%swap3A_220, %swap3A_221] {strides = array<i32>} : memref<1x10000xf32, #tpu.memory_space<vmem>>, vector<1x16xf32>,
      %swap3A_223 = vector.shape_cast %swap3A_222 : vector<1x16xf32> to vector<16xf32>
      %swap3A_224 = vector.shape_cast %broadcast_in_dim3A_217 : vector<16xf32> to vector<1x16xf32>
      tpu.vector_store %arg13[%swap3A_220, %swap3A_221], %swap3A_224 {strides = array<i32>} : memref<1x10000xf32, #tpu.memory_space<vmem>>, vector<1x16xf32>,
      %swap3A_225 = arith.constant 0 : i32
      %swap3A_226 = arith.index_cast %swap3A_225 : i32 to index
      %swap3A_227 = arith.index_cast %mul3A_219 : i32 to index
      %swap3A_228 = tpu.vector_load %arg12[%swap3A_226, %swap3A_227] {strides = array<i32>} : memref<1x10000xf32, #tpu.memory_space<vmem>>, vector<1x16xf32>,
      %swap3A_229 = vector.shape_cast %swap3A_228 : vector<1x16xf32> to vector<16xf32>
      %swap3A_230 = vector.shape_cast %broadcast_in_dim3A_217 : vector<16xf32> to vector<1x16xf32>
      tpu.vector_store %arg12[%swap3A_226, %swap3A_227], %swap3A_230 {strides = array<i32>} : memref<1x10000xf32, #tpu.memory_space<vmem>>, vector<1x16xf32>,
      %swap3A_231 = arith.constant 0 : i32
      %swap3A_232 = arith.index_cast %swap3A_231 : i32 to index
      %swap3A_233 = arith.index_cast %mul3A_219 : i32 to index
      %swap3A_234 = tpu.vector_load %arg11[%swap3A_232, %swap3A_233] {strides = array<i32>} : memref<1x10000xf32, #tpu.memory_space<vmem>>, vector<1x16xf32>,
      %swap3A_235 = vector.shape_cast %swap3A_234 : vector<1x16xf32> to vector<16xf32>
      %swap3A_236 = vector.shape_cast %broadcast_in_dim3A_217 : vector<16xf32> to vector<1x16xf32>
      tpu.vector_store %arg11[%swap3A_232, %swap3A_233], %swap3A_236 {strides = array<i32>} : memref<1x10000xf32, #tpu.memory_space<vmem>>, vector<1x16xf32>,
    }
    %scan3A_7 = arith.constant 625 : i32
    %get3A = arith.constant 0 : i32
    %get3A_8 = arith.index_cast %get3A : i32 to index
    %get3A_9 = arith.constant 0 : index
    %get3A_10 = tpu.vector_load %arg8[%get3A_8, %get3A_9] {strides = array<i32>} : memref<64x16xi32, #tpu.memory_space<vmem>>, vector<1x16xi32>,
    %get3A_11 = vector.shape_cast %get3A_10 : vector<1x16xi32> to vector<16xi32>
    %slice3A = vector.extract_strided_slice %get3A_11 {offsets = [4], sizes = [1], strides = [1]} : vector<16xi32> to vector<1xi32>
    %squeeze3A = vector.extract %slice3A[0] : i32 from vector<1xi32>
    %dma_start3A = arith.constant 0 : i32
    %dma_start3A_12 = arith.constant 0 : i32
    %dma_start3A_13 = arith.constant 0 : i32
    %dma_start3A_14 = arith.constant 0 : i32
    %dma_start3A_15 = tpu.memref_slice %arg10[%dma_start3A_12, %dma_start3A_13, %dma_start3A_14] : memref<2x4x10000xf32, #tpu.memory_space<vmem>> -> memref<1x4x10000xf32, #tpu.memory_space<vmem>>
    %dma_start3A_16 = tpu.memref_squeeze %dma_start3A_15 : memref<1x4x10000xf32, #tpu.memory_space<vmem>> -> memref<4x10000xf32, #tpu.memory_space<vmem>>
    %dma_start3A_17 = arith.constant 0 : i32
    %dma_start3A_18 = arith.constant 0 : i32
    %dma_start3A_19 = tpu.memref_slice %dma_start3A_16[%dma_start3A_17, %dma_start3A_18] : memref<4x10000xf32, #tpu.memory_space<vmem>> -> memref<3x10000xf32, #tpu.memory_space<vmem>>
    %dma_start3A_20 = arith.constant 0 : i32
    %dma_start3A_21 = tpu.memref_slice %arg9[%dma_start3A, %dma_start3A_20] : memref<64x3xi32, #tpu.memory_space<vmem>> -> memref<1x3xi32, #tpu.memory_space<vmem>>
    %dma_start3A_22 = tpu.memref_squeeze %dma_start3A_21 : memref<1x3xi32, #tpu.memory_space<vmem>> -> memref<3xi32, #tpu.memory_space<vmem>>
    %dma_start3A_23 = arith.constant 0 : i32
    %dma_start3A_24 = arith.constant 0 : i32
    %dma_start3A_25 = tpu.memref_slice %arg4[%dma_start3A_23, %dma_start3A_24] : memref<1024x10000xf32, #tpu.memory_space<hbm>> -> memref<1024x10000xf32, #tpu.memory_space<hbm>>
    tpu.enqueue_indirect_dma source(%dma_start3A_25 : memref<1024x10000xf32, #tpu.memory_space<hbm>>) target(%dma_start3A_19 : memref<3x10000xf32, #tpu.memory_space<vmem>>) offsets(%dma_start3A_22 : memref<3xi32, #tpu.memory_space<vmem>>) semaphore(%arg14 : memref<!tpu.dma_semaphore, #tpu.memory_space<semaphore_mem>>)
    %dma_start3A_26 = arith.constant 0 : i32
    %dma_start3A_27 = arith.constant 0 : i32
    %dma_start3A_28 = arith.constant 0 : i32
    %dma_start3A_29 = tpu.memref_slice %arg10[%dma_start3A_26, %dma_start3A_27, %dma_start3A_28] : memref<2x4x10000xf32, #tpu.memory_space<vmem>> -> memref<1x4x10000xf32, #tpu.memory_space<vmem>>
    %dma_start3A_30 = tpu.memref_squeeze %dma_start3A_29 : memref<1x4x10000xf32, #tpu.memory_space<vmem>> -> memref<4x10000xf32, #tpu.memory_space<vmem>>
    %dma_start3A_31 = arith.constant 3 : i32
    %dma_start3A_32 = arith.constant 0 : i32
    %dma_start3A_33 = tpu.memref_slice %dma_start3A_30[%dma_start3A_31, %dma_start3A_32] : memref<4x10000xf32, #tpu.memory_space<vmem>> -> memref<1x10000xf32, #tpu.memory_space<vmem>>
    %dma_start3A_34 = arith.constant 0 : i32
    %dma_start3A_35 = tpu.memref_slice %arg5[%squeeze3A, %dma_start3A_34] : memref<2048x10000xf32, #tpu.memory_space<hbm>> -> memref<1x10000xf32, #tpu.memory_space<hbm>>
    %dma_start3A_36 = arith.constant 0 : i32
    %dma_start3A_37 = arith.constant 0 : i32
    %dma_start3A_38 = tpu.memref_slice %arg10[%dma_start3A_26, %dma_start3A_36, %dma_start3A_37] : memref<2x4x10000xf32, #tpu.memory_space<vmem>> -> memref<1x4x10000xf32, #tpu.memory_space<vmem>>
    %dma_start3A_39 = tpu.memref_squeeze %dma_start3A_38 : memref<1x4x10000xf32, #tpu.memory_space<vmem>> -> memref<4x10000xf32, #tpu.memory_space<vmem>>
    %dma_start3A_40 = arith.constant 3 : i32
    %dma_start3A_41 = arith.constant 0 : i32
    %dma_start3A_42 = tpu.memref_slice %dma_start3A_39[%dma_start3A_40, %dma_start3A_41] : memref<4x10000xf32, #tpu.memory_space<vmem>> -> memref<1x10000xf32, #tpu.memory_space<vmem>>
    %dma_start3A_43 = arith.constant 0 : i32
    %dma_start3A_44 = tpu.memref_slice %arg5[%squeeze3A, %dma_start3A_43] : memref<2048x10000xf32, #tpu.memory_space<hbm>> -> memref<1x10000xf32, #tpu.memory_space<hbm>>
    tpu.enqueue_dma source(%dma_start3A_44 : memref<1x10000xf32, #tpu.memory_space<hbm>>) target(%dma_start3A_42 : memref<1x10000xf32, #tpu.memory_space<vmem>>) target_semaphore(%arg14 : memref<!tpu.dma_semaphore, #tpu.memory_space<semaphore_mem>>)
    %get3A_45 = arith.constant 1 : i32
    %get3A_46 = arith.index_cast %get3A_45 : i32 to index
    %get3A_47 = arith.constant 0 : index
    %get3A_48 = tpu.vector_load %arg8[%get3A_46, %get3A_47] {strides = array<i32>} : memref<64x16xi32, #tpu.memory_space<vmem>>, vector<1x16xi32>,
    %get3A_49 = vector.shape_cast %get3A_48 : vector<1x16xi32> to vector<16xi32>
    %slice3A_50 = vector.extract_strided_slice %get3A_49 {offsets = [4], sizes = [1], strides = [1]} : vector<16xi32> to vector<1xi32>
    %squeeze3A_51 = vector.extract %slice3A_50[0] : i32 from vector<1xi32>
    %dma_start3A_52 = arith.constant 1 : i32
    %dma_start3A_53 = arith.constant 1 : i32
    %dma_start3A_54 = arith.constant 0 : i32
    %dma_start3A_55 = arith.constant 0 : i32
    %dma_start3A_56 = tpu.memref_slice %arg10[%dma_start3A_53, %dma_start3A_54, %dma_start3A_55] : memref<2x4x10000xf32, #tpu.memory_space<vmem>> -> memref<1x4x10000xf32, #tpu.memory_space<vmem>>
    %dma_start3A_57 = tpu.memref_squeeze %dma_start3A_56 : memref<1x4x10000xf32, #tpu.memory_space<vmem>> -> memref<4x10000xf32, #tpu.memory_space<vmem>>
    %dma_start3A_58 = arith.constant 0 : i32
    %dma_start3A_59 = arith.constant 0 : i32
    %dma_start3A_60 = tpu.memref_slice %dma_start3A_57[%dma_start3A_58, %dma_start3A_59] : memref<4x10000xf32, #tpu.memory_space<vmem>> -> memref<3x10000xf32, #tpu.memory_space<vmem>>
    %dma_start3A_61 = arith.constant 0 : i32
    %dma_start3A_62 = tpu.memref_slice %arg9[%dma_start3A_52, %dma_start3A_61] : memref<64x3xi32, #tpu.memory_space<vmem>> -> memref<1x3xi32, #tpu.memory_space<vmem>>
    %dma_start3A_63 = tpu.memref_squeeze %dma_start3A_62 : memref<1x3xi32, #tpu.memory_space<vmem>> -> memref<3xi32, #tpu.memory_space<vmem>>
    %dma_start3A_64 = arith.constant 0 : i32
    %dma_start3A_65 = arith.constant 0 : i32
    %dma_start3A_66 = tpu.memref_slice %arg4[%dma_start3A_64, %dma_start3A_65] : memref<1024x10000xf32, #tpu.memory_space<hbm>> -> memref<1024x10000xf32, #tpu.memory_space<hbm>>
    tpu.enqueue_indirect_dma source(%dma_start3A_66 : memref<1024x10000xf32, #tpu.memory_space<hbm>>) target(%dma_start3A_60 : memref<3x10000xf32, #tpu.memory_space<vmem>>) offsets(%dma_start3A_63 : memref<3xi32, #tpu.memory_space<vmem>>) semaphore(%arg15 : memref<!tpu.dma_semaphore, #tpu.memory_space<semaphore_mem>>)
    %dma_start3A_67 = arith.constant 1 : i32
    %dma_start3A_68 = arith.constant 0 : i32
    %dma_start3A_69 = arith.constant 0 : i32
    %dma_start3A_70 = tpu.memref_slice %arg10[%dma_start3A_67, %dma_start3A_68, %dma_start3A_69] : memref<2x4x10000xf32, #tpu.memory_space<vmem>> -> memref<1x4x10000xf32, #tpu.memory_space<vmem>>
    %dma_start3A_71 = tpu.memref_squeeze %dma_start3A_70 : memref<1x4x10000xf32, #tpu.memory_space<vmem>> -> memref<4x10000xf32, #tpu.memory_space<vmem>>
    %dma_start3A_72 = arith.constant 3 : i32
    %dma_start3A_73 = arith.constant 0 : i32
    %dma_start3A_74 = tpu.memref_slice %dma_start3A_71[%dma_start3A_72, %dma_start3A_73] : memref<4x10000xf32, #tpu.memory_space<vmem>> -> memref<1x10000xf32, #tpu.memory_space<vmem>>
    %dma_start3A_75 = arith.constant 0 : i32
    %dma_start3A_76 = tpu.memref_slice %arg5[%squeeze3A_51, %dma_start3A_75] : memref<2048x10000xf32, #tpu.memory_space<hbm>> -> memref<1x10000xf32, #tpu.memory_space<hbm>>
    %dma_start3A_77 = arith.constant 0 : i32
    %dma_start3A_78 = arith.constant 0 : i32
    %dma_start3A_79 = tpu.memref_slice %arg10[%dma_start3A_67, %dma_start3A_77, %dma_start3A_78] : memref<2x4x10000xf32, #tpu.memory_space<vmem>> -> memref<1x4x10000xf32, #tpu.memory_space<vmem>>
    %dma_start3A_80 = tpu.memref_squeeze %dma_start3A_79 : memref<1x4x10000xf32, #tpu.memory_space<vmem>> -> memref<4x10000xf32, #tpu.memory_space<vmem>>
    %dma_start3A_81 = arith.constant 3 : i32
    %dma_start3A_82 = arith.constant 0 : i32
    %dma_start3A_83 = tpu.memref_slice %dma_start3A_80[%dma_start3A_81, %dma_start3A_82] : memref<4x10000xf32, #tpu.memory_space<vmem>> -> memref<1x10000xf32, #tpu.memory_space<vmem>>
    %dma_start3A_84 = arith.constant 0 : i32
    %dma_start3A_85 = tpu.memref_slice %arg5[%squeeze3A_51, %dma_start3A_84] : memref<2048x10000xf32, #tpu.memory_space<hbm>> -> memref<1x10000xf32, #tpu.memory_space<hbm>>
    tpu.enqueue_dma source(%dma_start3A_85 : memref<1x10000xf32, #tpu.memory_space<hbm>>) target(%dma_start3A_83 : memref<1x10000xf32, #tpu.memory_space<vmem>>) target_semaphore(%arg15 : memref<!tpu.dma_semaphore, #tpu.memory_space<semaphore_mem>>)
    %scan3A_86 = arith.constant 0 : i32
    %scan3A_87 = arith.constant 0 : i32
    %scan3A_88 = arith.constant 1 : i32
    %scan3A_89 = arith.constant 0 : i32
    %scan3A_90 = arith.constant 31 : i32
    %scan3A_91 = arith.addi %scan3A_89, %scan3A_90 : i32
    %scan3A_92 = arith.constant 1 : i32
    scf.for %scan3A_216 = %scan3A_89 to %scan3A_91 step %scan3A_92  : i32 {
      %mul3A_217 = arith.constant 2 : i32
      %mul3A_218 = arith.muli %mul3A_217, %scan3A_216 : i32
      %get3A_219 = arith.index_cast %mul3A_218 : i32 to index
      %get3A_220 = arith.constant 0 : index
      %get3A_221 = tpu.vector_load %arg8[%get3A_219, %get3A_220] {strides = array<i32>} : memref<64x16xi32, #tpu.memory_space<vmem>>, vector<1x16xi32>,
      %get3A_222 = vector.shape_cast %get3A_221 : vector<1x16xi32> to vector<16xi32>
      %slice3A_223 = vector.extract_strided_slice %get3A_222 {offsets = [4], sizes = [1], strides = [1]} : vector<16xi32> to vector<1xi32>
      %squeeze3A_224 = vector.extract %slice3A_223[0] : i32 from vector<1xi32>
      %dma_wait3A_225 = arith.constant 0 : i32
      %dma_wait3A_226 = arith.constant 0 : i32
      %dma_wait3A_227 = tpu.memref_slice %arg10[%scan3A_87, %dma_wait3A_225, %dma_wait3A_226] : memref<2x4x10000xf32, #tpu.memory_space<vmem>> -> memref<1x4x10000xf32, #tpu.memory_space<vmem>>
      %dma_wait3A_228 = tpu.memref_squeeze %dma_wait3A_227 : memref<1x4x10000xf32, #tpu.memory_space<vmem>> -> memref<4x10000xf32, #tpu.memory_space<vmem>>
      %dma_wait3A_229 = arith.constant 0 : i32
      %dma_wait3A_230 = arith.constant 0 : i32
      %dma_wait3A_231 = tpu.memref_slice %dma_wait3A_228[%dma_wait3A_229, %dma_wait3A_230] : memref<4x10000xf32, #tpu.memory_space<vmem>> -> memref<3x10000xf32, #tpu.memory_space<vmem>>
      %dma_wait3A_232 = arith.constant 0 : i32
      %dma_wait3A_233 = tpu.memref_slice %arg9[%mul3A_218, %dma_wait3A_232] : memref<64x3xi32, #tpu.memory_space<vmem>> -> memref<1x3xi32, #tpu.memory_space<vmem>>
      %dma_wait3A_234 = tpu.memref_squeeze %dma_wait3A_233 : memref<1x3xi32, #tpu.memory_space<vmem>> -> memref<3xi32, #tpu.memory_space<vmem>>
      %dma_wait3A_235 = arith.constant 0 : i32
      %dma_wait3A_236 = arith.constant 0 : i32
      %dma_wait3A_237 = tpu.memref_slice %arg4[%dma_wait3A_235, %dma_wait3A_236] : memref<1024x10000xf32, #tpu.memory_space<hbm>> -> memref<1024x10000xf32, #tpu.memory_space<hbm>>
      tpu.wait_indirect_dma semaphore(%arg14 : memref<!tpu.dma_semaphore, #tpu.memory_space<semaphore_mem>>) src(%dma_wait3A_237 : memref<1024x10000xf32, #tpu.memory_space<hbm>>) dst(%dma_wait3A_231 : memref<3x10000xf32, #tpu.memory_space<vmem>>)
      %dma_wait3A_238 = arith.constant 0 : i32
      %dma_wait3A_239 = arith.constant 0 : i32
      %dma_wait3A_240 = tpu.memref_slice %arg10[%scan3A_87, %dma_wait3A_238, %dma_wait3A_239] : memref<2x4x10000xf32, #tpu.memory_space<vmem>> -> memref<1x4x10000xf32, #tpu.memory_space<vmem>>
      %dma_wait3A_241 = tpu.memref_squeeze %dma_wait3A_240 : memref<1x4x10000xf32, #tpu.memory_space<vmem>> -> memref<4x10000xf32, #tpu.memory_space<vmem>>
      %dma_wait3A_242 = arith.constant 3 : i32
      %dma_wait3A_243 = arith.constant 0 : i32
      %dma_wait3A_244 = tpu.memref_slice %dma_wait3A_241[%dma_wait3A_242, %dma_wait3A_243] : memref<4x10000xf32, #tpu.memory_space<vmem>> -> memref<1x10000xf32, #tpu.memory_space<vmem>>
      %dma_wait3A_245 = arith.constant 0 : i32
      %dma_wait3A_246 = tpu.memref_slice %arg5[%squeeze3A_224, %dma_wait3A_245] : memref<2048x10000xf32, #tpu.memory_space<hbm>> -> memref<1x10000xf32, #tpu.memory_space<hbm>>
      %dma_wait3A_247 = arith.constant 0 : i32
      %dma_wait3A_248 = arith.constant 0 : i32
      %dma_wait3A_249 = tpu.memref_slice %arg10[%scan3A_87, %dma_wait3A_247, %dma_wait3A_248] : memref<2x4x10000xf32, #tpu.memory_space<vmem>> -> memref<1x4x10000xf32, #tpu.memory_space<vmem>>
      %dma_wait3A_250 = tpu.memref_squeeze %dma_wait3A_249 : memref<1x4x10000xf32, #tpu.memory_space<vmem>> -> memref<4x10000xf32, #tpu.memory_space<vmem>>
      %dma_wait3A_251 = arith.constant 3 : i32
      %dma_wait3A_252 = arith.constant 0 : i32
      %dma_wait3A_253 = tpu.memref_slice %dma_wait3A_250[%dma_wait3A_251, %dma_wait3A_252] : memref<4x10000xf32, #tpu.memory_space<vmem>> -> memref<1x10000xf32, #tpu.memory_space<vmem>>
      %dma_wait3A_254 = arith.constant 0 : i32
      %dma_wait3A_255 = tpu.memref_slice %arg5[%squeeze3A_224, %dma_wait3A_254] : memref<2048x10000xf32, #tpu.memory_space<hbm>> -> memref<1x10000xf32, #tpu.memory_space<hbm>>
      tpu.wait_dma2 semaphore(%arg14 : memref<!tpu.dma_semaphore, #tpu.memory_space<semaphore_mem>>) src(%dma_wait3A_255 : memref<1x10000xf32, #tpu.memory_space<hbm>>) dst(%dma_wait3A_253 : memref<1x10000xf32, #tpu.memory_space<vmem>>)
      %get3A_256 = arith.index_cast %mul3A_218 : i32 to index
      %get3A_257 = arith.constant 0 : index
      %get3A_258 = tpu.vector_load %arg8[%get3A_256, %get3A_257] {strides = array<i32>} : memref<64x16xi32, #tpu.memory_space<vmem>>, vector<1x16xi32>,
      %get3A_259 = vector.shape_cast %get3A_258 : vector<1x16xi32> to vector<16xi32>
      %slice3A_260 = vector.extract_strided_slice %get3A_259 {offsets = [5], sizes = [1], strides = [1]} : vector<16xi32> to vector<1xi32>
      %squeeze3A_261 = vector.extract %slice3A_260[0] : i32 from vector<1xi32>
      %eq3A_262 = arith.constant 1 : i32
      %eq3A_263 = arith.cmpi eq, %squeeze3A_261, %eq3A_262 : i32
      %convert_element_type3A_264 = arith.extui %eq3A_263 : i1 to i32
      %cond3A_265 = arith.constant 0 : i32
      %cond3A_266 = arith.cmpi ne, %convert_element_type3A_264, %cond3A_265 : i32
      scf.if %cond3A_266 {
        %scan3A_409 = arith.constant 0 : i32
        %scan3A_410 = arith.constant 0 : i32
        %scan3A_411 = arith.constant 625 : i32
        %scan3A_412 = arith.addi %scan3A_410, %scan3A_411 : i32
        %scan3A_413 = arith.constant 1 : i32
        scf.for %scan3A_417 = %scan3A_410 to %scan3A_412 step %scan3A_413  : i32 {
          %mul3A_418 = arith.constant 16 : i32
          %mul3A_419 = arith.muli %scan3A_417, %mul3A_418 : i32
          %get3A_420 = arith.constant 0 : i32
          %get3A_421 = arith.index_cast %get3A_420 : i32 to index
          %get3A_422 = arith.index_cast %mul3A_419 : i32 to index
          %get3A_423 = tpu.vector_load %arg13[%get3A_421, %get3A_422] {strides = array<i32>} : memref<1x10000xf32, #tpu.memory_space<vmem>>, vector<1x16xf32>,
          %get3A_424 = vector.shape_cast %get3A_423 : vector<1x16xf32> to vector<16xf32>
          %get3A_425 = arith.constant 0 : i32
          %get3A_426 = arith.index_cast %get3A_425 : i32 to index
          %get3A_427 = arith.index_cast %mul3A_419 : i32 to index
          %get3A_428 = tpu.vector_load %arg12[%get3A_426, %get3A_427] {strides = array<i32>} : memref<1x10000xf32, #tpu.memory_space<vmem>>, vector<1x16xf32>,
          %get3A_429 = vector.shape_cast %get3A_428 : vector<1x16xf32> to vector<16xf32>
          %get3A_430 = arith.constant 0 : i32
          %get3A_431 = arith.index_cast %get3A_430 : i32 to index
          %get3A_432 = arith.index_cast %mul3A_419 : i32 to index
          %get3A_433 = tpu.vector_load %arg11[%get3A_431, %get3A_432] {strides = array<i32>} : memref<1x10000xf32, #tpu.memory_space<vmem>>, vector<1x16xf32>,
          %get3A_434 = vector.shape_cast %get3A_433 : vector<1x16xf32> to vector<16xf32>
          %mul3A_435 = arith.mulf %get3A_429, %get3A_434 : vector<16xf32>
          %add3A_436 = arith.addf %get3A_424, %mul3A_435 : vector<16xf32>
          %swap3A = arith.constant 0 : i32
          %swap3A_437 = arith.index_cast %swap3A : i32 to index
          %swap3A_438 = arith.index_cast %mul3A_419 : i32 to index
          %swap3A_439 = tpu.vector_load %arg13[%swap3A_437, %swap3A_438] {strides = array<i32>} : memref<1x10000xf32, #tpu.memory_space<vmem>>, vector<1x16xf32>,
          %swap3A_440 = vector.shape_cast %swap3A_439 : vector<1x16xf32> to vector<16xf32>
          %swap3A_441 = vector.shape_cast %add3A_436 : vector<16xf32> to vector<1x16xf32>
          tpu.vector_store %arg13[%swap3A_437, %swap3A_438], %swap3A_441 {strides = array<i32>} : memref<1x10000xf32, #tpu.memory_space<vmem>>, vector<1x16xf32>,
          %broadcast_in_dim3A = arith.constant 0.000000e+00 : f32
          %broadcast_in_dim3A_442 = vector.broadcast %broadcast_in_dim3A : f32 to vector<16xf32>
          %swap3A_443 = arith.constant 0 : i32
          %swap3A_444 = arith.index_cast %swap3A_443 : i32 to index
          %swap3A_445 = arith.index_cast %mul3A_419 : i32 to index
          %swap3A_446 = tpu.vector_load %arg12[%swap3A_444, %swap3A_445] {strides = array<i32>} : memref<1x10000xf32, #tpu.memory_space<vmem>>, vector<1x16xf32>,
          %swap3A_447 = vector.shape_cast %swap3A_446 : vector<1x16xf32> to vector<16xf32>
          %swap3A_448 = vector.shape_cast %broadcast_in_dim3A_442 : vector<16xf32> to vector<1x16xf32>
          tpu.vector_store %arg12[%swap3A_444, %swap3A_445], %swap3A_448 {strides = array<i32>} : memref<1x10000xf32, #tpu.memory_space<vmem>>, vector<1x16xf32>,
        }
        %scan3A_414 = arith.constant 625 : i32
        %slice3A_415 = vector.extract_strided_slice %get3A_259 {offsets = [3], sizes = [1], strides = [1]} : vector<16xi32> to vector<1xi32>
        %squeeze3A_416 = vector.extract %slice3A_415[0] : i32 from vector<1xi32>
        "tpu.region"() ({
          %run_scoped3A = tpu.sem_alloc : memref<!tpu.dma_semaphore, #tpu.memory_space<semaphore_mem>>
          %dma_start3A_417 = arith.constant 0 : i32
          %dma_start3A_418 = tpu.memref_slice %arg6[%squeeze3A_416, %dma_start3A_417] : memref<2048x10000xf32, #tpu.memory_space<hbm>> -> memref<1x10000xf32, #tpu.memory_space<hbm>>
          %dma_start3A_419 = arith.constant 0 : i32
          %dma_start3A_420 = tpu.memref_slice %arg6[%squeeze3A_416, %dma_start3A_419] : memref<2048x10000xf32, #tpu.memory_space<hbm>> -> memref<1x10000xf32, #tpu.memory_space<hbm>>
          tpu.enqueue_dma source(%dma_start3A_420 : memref<1x10000xf32, #tpu.memory_space<hbm>>) target(%arg11 : memref<1x10000xf32, #tpu.memory_space<vmem>>) target_semaphore(%run_scoped3A : memref<!tpu.dma_semaphore, #tpu.memory_space<semaphore_mem>>)
          %dma_wait3A_421 = arith.constant 0 : i32
          %dma_wait3A_422 = tpu.memref_slice %arg6[%squeeze3A_416, %dma_wait3A_421] : memref<2048x10000xf32, #tpu.memory_space<hbm>> -> memref<1x10000xf32, #tpu.memory_space<hbm>>
          %dma_wait3A_423 = arith.constant 0 : i32
          %dma_wait3A_424 = tpu.memref_slice %arg6[%squeeze3A_416, %dma_wait3A_423] : memref<2048x10000xf32, #tpu.memory_space<hbm>> -> memref<1x10000xf32, #tpu.memory_space<hbm>>
          tpu.wait_dma2 semaphore(%run_scoped3A : memref<!tpu.dma_semaphore, #tpu.memory_space<semaphore_mem>>) src(%dma_wait3A_424 : memref<1x10000xf32, #tpu.memory_space<hbm>>) dst(%arg11 : memref<1x10000xf32, #tpu.memory_space<vmem>>)
          tpu.yield
        }) : () -> ()
      } else {
      }
      %scan3A_267 = arith.constant 0 : i32
      %scan3A_268 = arith.constant 0 : i32
      %scan3A_269 = arith.constant 625 : i32
      %scan3A_270 = arith.addi %scan3A_268, %scan3A_269 : i32
      %scan3A_271 = arith.constant 1 : i32
      scf.for %scan3A_409 = %scan3A_268 to %scan3A_270 step %scan3A_271  : i32 {
        %mul3A_410 = arith.constant 16 : i32
        %mul3A_411 = arith.muli %scan3A_409, %mul3A_410 : i32
        %get3A_412 = arith.constant 0 : i32
        %get3A_413 = arith.constant 0 : i32
        %get3A_414 = arith.constant 0 : i32
        %get3A_415 = tpu.memref_slice %arg10[%scan3A_87, %get3A_413, %get3A_414] : memref<2x4x10000xf32, #tpu.memory_space<vmem>> -> memref<1x4x10000xf32, #tpu.memory_space<vmem>>
        %get3A_416 = tpu.memref_squeeze %get3A_415 : memref<1x4x10000xf32, #tpu.memory_space<vmem>> -> memref<4x10000xf32, #tpu.memory_space<vmem>>
        %get3A_417 = arith.index_cast %get3A_412 : i32 to index
        %get3A_418 = arith.index_cast %mul3A_411 : i32 to index
        %get3A_419 = tpu.vector_load %get3A_416[%get3A_417, %get3A_418] {strides = array<i32>} : memref<4x10000xf32, #tpu.memory_space<vmem>>, vector<1x16xf32>,
        %get3A_420 = vector.shape_cast %get3A_419 : vector<1x16xf32> to vector<16xf32>
        %get3A_421 = arith.constant 1 : i32
        %get3A_422 = arith.constant 0 : i32
        %get3A_423 = arith.constant 0 : i32
        %get3A_424 = tpu.memref_slice %arg10[%scan3A_87, %get3A_422, %get3A_423] : memref<2x4x10000xf32, #tpu.memory_space<vmem>> -> memref<1x4x10000xf32, #tpu.memory_space<vmem>>
        %get3A_425 = tpu.memref_squeeze %get3A_424 : memref<1x4x10000xf32, #tpu.memory_space<vmem>> -> memref<4x10000xf32, #tpu.memory_space<vmem>>
        %get3A_426 = arith.index_cast %get3A_421 : i32 to index
        %get3A_427 = arith.index_cast %mul3A_411 : i32 to index
        %get3A_428 = tpu.vector_load %get3A_425[%get3A_426, %get3A_427] {strides = array<i32>} : memref<4x10000xf32, #tpu.memory_space<vmem>>, vector<1x16xf32>,
        %get3A_429 = vector.shape_cast %get3A_428 : vector<1x16xf32> to vector<16xf32>
        %add3A_430 = arith.addf %get3A_420, %get3A_429 : vector<16xf32>
        %get3A_431 = arith.constant 2 : i32
        %get3A_432 = arith.constant 0 : i32
        %get3A_433 = arith.constant 0 : i32
        %get3A_434 = tpu.memref_slice %arg10[%scan3A_87, %get3A_432, %get3A_433] : memref<2x4x10000xf32, #tpu.memory_space<vmem>> -> memref<1x4x10000xf32, #tpu.memory_space<vmem>>
        %get3A_435 = tpu.memref_squeeze %get3A_434 : memref<1x4x10000xf32, #tpu.memory_space<vmem>> -> memref<4x10000xf32, #tpu.memory_space<vmem>>
        %get3A_436 = arith.index_cast %get3A_431 : i32 to index
        %get3A_437 = arith.index_cast %mul3A_411 : i32 to index
        %get3A_438 = tpu.vector_load %get3A_435[%get3A_436, %get3A_437] {strides = array<i32>} : memref<4x10000xf32, #tpu.memory_space<vmem>>, vector<1x16xf32>,
        %get3A_439 = vector.shape_cast %get3A_438 : vector<1x16xf32> to vector<16xf32>
        %add3A_440 = arith.addf %add3A_430, %get3A_439 : vector<16xf32>
        %get3A_441 = arith.constant 0 : i32
        %get3A_442 = arith.index_cast %get3A_441 : i32 to index
        %get3A_443 = arith.index_cast %mul3A_411 : i32 to index
        %get3A_444 = tpu.vector_load %arg12[%get3A_442, %get3A_443] {strides = array<i32>} : memref<1x10000xf32, #tpu.memory_space<vmem>>, vector<1x16xf32>,
        %get3A_445 = vector.shape_cast %get3A_444 : vector<1x16xf32> to vector<16xf32>
        %get3A_446 = arith.constant 3 : i32
        %get3A_447 = arith.constant 0 : i32
        %get3A_448 = arith.constant 0 : i32
        %get3A_449 = tpu.memref_slice %arg10[%scan3A_87, %get3A_447, %get3A_448] : memref<2x4x10000xf32, #tpu.memory_space<vmem>> -> memref<1x4x10000xf32, #tpu.memory_space<vmem>>
        %get3A_450 = tpu.memref_squeeze %get3A_449 : memref<1x4x10000xf32, #tpu.memory_space<vmem>> -> memref<4x10000xf32, #tpu.memory_space<vmem>>
        %get3A_451 = arith.index_cast %get3A_446 : i32 to index
        %get3A_452 = arith.index_cast %mul3A_411 : i32 to index
        %get3A_453 = tpu.vector_load %get3A_450[%get3A_451, %get3A_452] {strides = array<i32>} : memref<4x10000xf32, #tpu.memory_space<vmem>>, vector<1x16xf32>,
        %get3A_454 = vector.shape_cast %get3A_453 : vector<1x16xf32> to vector<16xf32>
        %mul3A_455 = arith.mulf %add3A_440, %get3A_454 : vector<16xf32>
        %add3A_456 = arith.addf %get3A_445, %mul3A_455 : vector<16xf32>
        %swap3A = arith.constant 0 : i32
        %swap3A_457 = arith.index_cast %swap3A : i32 to index
        %swap3A_458 = arith.index_cast %mul3A_411 : i32 to index
        %swap3A_459 = tpu.vector_load %arg12[%swap3A_457, %swap3A_458] {strides = array<i32>} : memref<1x10000xf32, #tpu.memory_space<vmem>>, vector<1x16xf32>,
        %swap3A_460 = vector.shape_cast %swap3A_459 : vector<1x16xf32> to vector<16xf32>
        %swap3A_461 = vector.shape_cast %add3A_456 : vector<16xf32> to vector<1x16xf32>
        tpu.vector_store %arg12[%swap3A_457, %swap3A_458], %swap3A_461 {strides = array<i32>} : memref<1x10000xf32, #tpu.memory_space<vmem>>, vector<1x16xf32>,
      }
      %scan3A_272 = arith.constant 625 : i32
      %add3A_273 = arith.constant 2 : i32
      %add3A_274 = arith.addi %mul3A_218, %add3A_273 : i32
      %get3A_275 = arith.index_cast %add3A_274 : i32 to index
      %get3A_276 = arith.constant 0 : index
      %get3A_277 = tpu.vector_load %arg8[%get3A_275, %get3A_276] {strides = array<i32>} : memref<64x16xi32, #tpu.memory_space<vmem>>, vector<1x16xi32>,
      %get3A_278 = vector.shape_cast %get3A_277 : vector<1x16xi32> to vector<16xi32>
      %slice3A_279 = vector.extract_strided_slice %get3A_278 {offsets = [4], sizes = [1], strides = [1]} : vector<16xi32> to vector<1xi32>
      %squeeze3A_280 = vector.extract %slice3A_279[0] : i32 from vector<1xi32>
      %dma_start3A_281 = arith.constant 0 : i32
      %dma_start3A_282 = arith.constant 0 : i32
      %dma_start3A_283 = tpu.memref_slice %arg10[%scan3A_87, %dma_start3A_281, %dma_start3A_282] : memref<2x4x10000xf32, #tpu.memory_space<vmem>> -> memref<1x4x10000xf32, #tpu.memory_space<vmem>>
      %dma_start3A_284 = tpu.memref_squeeze %dma_start3A_283 : memref<1x4x10000xf32, #tpu.memory_space<vmem>> -> memref<4x10000xf32, #tpu.memory_space<vmem>>
      %dma_start3A_285 = arith.constant 0 : i32
      %dma_start3A_286 = arith.constant 0 : i32
      %dma_start3A_287 = tpu.memref_slice %dma_start3A_284[%dma_start3A_285, %dma_start3A_286] : memref<4x10000xf32, #tpu.memory_space<vmem>> -> memref<3x10000xf32, #tpu.memory_space<vmem>>
      %dma_start3A_288 = arith.constant 0 : i32
      %dma_start3A_289 = tpu.memref_slice %arg9[%add3A_274, %dma_start3A_288] : memref<64x3xi32, #tpu.memory_space<vmem>> -> memref<1x3xi32, #tpu.memory_space<vmem>>
      %dma_start3A_290 = tpu.memref_squeeze %dma_start3A_289 : memref<1x3xi32, #tpu.memory_space<vmem>> -> memref<3xi32, #tpu.memory_space<vmem>>
      %dma_start3A_291 = arith.constant 0 : i32
      %dma_start3A_292 = arith.constant 0 : i32
      %dma_start3A_293 = tpu.memref_slice %arg4[%dma_start3A_291, %dma_start3A_292] : memref<1024x10000xf32, #tpu.memory_space<hbm>> -> memref<1024x10000xf32, #tpu.memory_space<hbm>>
      tpu.enqueue_indirect_dma source(%dma_start3A_293 : memref<1024x10000xf32, #tpu.memory_space<hbm>>) target(%dma_start3A_287 : memref<3x10000xf32, #tpu.memory_space<vmem>>) offsets(%dma_start3A_290 : memref<3xi32, #tpu.memory_space<vmem>>) semaphore(%arg14 : memref<!tpu.dma_semaphore, #tpu.memory_space<semaphore_mem>>)
      %dma_start3A_294 = arith.constant 0 : i32
      %dma_start3A_295 = arith.constant 0 : i32
      %dma_start3A_296 = tpu.memref_slice %arg10[%scan3A_87, %dma_start3A_294, %dma_start3A_295] : memref<2x4x10000xf32, #tpu.memory_space<vmem>> -> memref<1x4x10000xf32, #tpu.memory_space<vmem>>
      %dma_start3A_297 = tpu.memref_squeeze %dma_start3A_296 : memref<1x4x10000xf32, #tpu.memory_space<vmem>> -> memref<4x10000xf32, #tpu.memory_space<vmem>>
      %dma_start3A_298 = arith.constant 3 : i32
      %dma_start3A_299 = arith.constant 0 : i32
      %dma_start3A_300 = tpu.memref_slice %dma_start3A_297[%dma_start3A_298, %dma_start3A_299] : memref<4x10000xf32, #tpu.memory_space<vmem>> -> memref<1x10000xf32, #tpu.memory_space<vmem>>
      %dma_start3A_301 = arith.constant 0 : i32
      %dma_start3A_302 = tpu.memref_slice %arg5[%squeeze3A_280, %dma_start3A_301] : memref<2048x10000xf32, #tpu.memory_space<hbm>> -> memref<1x10000xf32, #tpu.memory_space<hbm>>
      %dma_start3A_303 = arith.constant 0 : i32
      %dma_start3A_304 = arith.constant 0 : i32
      %dma_start3A_305 = tpu.memref_slice %arg10[%scan3A_87, %dma_start3A_303, %dma_start3A_304] : memref<2x4x10000xf32, #tpu.memory_space<vmem>> -> memref<1x4x10000xf32, #tpu.memory_space<vmem>>
      %dma_start3A_306 = tpu.memref_squeeze %dma_start3A_305 : memref<1x4x10000xf32, #tpu.memory_space<vmem>> -> memref<4x10000xf32, #tpu.memory_space<vmem>>
      %dma_start3A_307 = arith.constant 3 : i32
      %dma_start3A_308 = arith.constant 0 : i32
      %dma_start3A_309 = tpu.memref_slice %dma_start3A_306[%dma_start3A_307, %dma_start3A_308] : memref<4x10000xf32, #tpu.memory_space<vmem>> -> memref<1x10000xf32, #tpu.memory_space<vmem>>
      %dma_start3A_310 = arith.constant 0 : i32
      %dma_start3A_311 = tpu.memref_slice %arg5[%squeeze3A_280, %dma_start3A_310] : memref<2048x10000xf32, #tpu.memory_space<hbm>> -> memref<1x10000xf32, #tpu.memory_space<hbm>>
      tpu.enqueue_dma source(%dma_start3A_311 : memref<1x10000xf32, #tpu.memory_space<hbm>>) target(%dma_start3A_309 : memref<1x10000xf32, #tpu.memory_space<vmem>>) target_semaphore(%arg14 : memref<!tpu.dma_semaphore, #tpu.memory_space<semaphore_mem>>)
      %add3A_312 = arith.constant 1 : i32
      %add3A_313 = arith.addi %mul3A_218, %add3A_312 : i32
      %get3A_314 = arith.index_cast %add3A_313 : i32 to index
      %get3A_315 = arith.constant 0 : index
      %get3A_316 = tpu.vector_load %arg8[%get3A_314, %get3A_315] {strides = array<i32>} : memref<64x16xi32, #tpu.memory_space<vmem>>, vector<1x16xi32>,
      %get3A_317 = vector.shape_cast %get3A_316 : vector<1x16xi32> to vector<16xi32>
      %slice3A_318 = vector.extract_strided_slice %get3A_317 {offsets = [4], sizes = [1], strides = [1]} : vector<16xi32> to vector<1xi32>
      %squeeze3A_319 = vector.extract %slice3A_318[0] : i32 from vector<1xi32>
      %dma_wait3A_320 = arith.constant 0 : i32
      %dma_wait3A_321 = arith.constant 0 : i32
      %dma_wait3A_322 = tpu.memref_slice %arg10[%scan3A_88, %dma_wait3A_320, %dma_wait3A_321] : memref<2x4x10000xf32, #tpu.memory_space<vmem>> -> memref<1x4x10000xf32, #tpu.memory_space<vmem>>
      %dma_wait3A_323 = tpu.memref_squeeze %dma_wait3A_322 : memref<1x4x10000xf32, #tpu.memory_space<vmem>> -> memref<4x10000xf32, #tpu.memory_space<vmem>>
      %dma_wait3A_324 = arith.constant 0 : i32
      %dma_wait3A_325 = arith.constant 0 : i32
      %dma_wait3A_326 = tpu.memref_slice %dma_wait3A_323[%dma_wait3A_324, %dma_wait3A_325] : memref<4x10000xf32, #tpu.memory_space<vmem>> -> memref<3x10000xf32, #tpu.memory_space<vmem>>
      %dma_wait3A_327 = arith.constant 0 : i32
      %dma_wait3A_328 = tpu.memref_slice %arg9[%add3A_313, %dma_wait3A_327] : memref<64x3xi32, #tpu.memory_space<vmem>> -> memref<1x3xi32, #tpu.memory_space<vmem>>
      %dma_wait3A_329 = tpu.memref_squeeze %dma_wait3A_328 : memref<1x3xi32, #tpu.memory_space<vmem>> -> memref<3xi32, #tpu.memory_space<vmem>>
      %dma_wait3A_330 = arith.constant 0 : i32
      %dma_wait3A_331 = arith.constant 0 : i32
      %dma_wait3A_332 = tpu.memref_slice %arg4[%dma_wait3A_330, %dma_wait3A_331] : memref<1024x10000xf32, #tpu.memory_space<hbm>> -> memref<1024x10000xf32, #tpu.memory_space<hbm>>
      tpu.wait_indirect_dma semaphore(%arg15 : memref<!tpu.dma_semaphore, #tpu.memory_space<semaphore_mem>>) src(%dma_wait3A_332 : memref<1024x10000xf32, #tpu.memory_space<hbm>>) dst(%dma_wait3A_326 : memref<3x10000xf32, #tpu.memory_space<vmem>>)
      %dma_wait3A_333 = arith.constant 0 : i32
      %dma_wait3A_334 = arith.constant 0 : i32
      %dma_wait3A_335 = tpu.memref_slice %arg10[%scan3A_88, %dma_wait3A_333, %dma_wait3A_334] : memref<2x4x10000xf32, #tpu.memory_space<vmem>> -> memref<1x4x10000xf32, #tpu.memory_space<vmem>>
      %dma_wait3A_336 = tpu.memref_squeeze %dma_wait3A_335 : memref<1x4x10000xf32, #tpu.memory_space<vmem>> -> memref<4x10000xf32, #tpu.memory_space<vmem>>
      %dma_wait3A_337 = arith.constant 3 : i32
      %dma_wait3A_338 = arith.constant 0 : i32
      %dma_wait3A_339 = tpu.memref_slice %dma_wait3A_336[%dma_wait3A_337, %dma_wait3A_338] : memref<4x10000xf32, #tpu.memory_space<vmem>> -> memref<1x10000xf32, #tpu.memory_space<vmem>>
      %dma_wait3A_340 = arith.constant 0 : i32
      %dma_wait3A_341 = tpu.memref_slice %arg5[%squeeze3A_319, %dma_wait3A_340] : memref<2048x10000xf32, #tpu.memory_space<hbm>> -> memref<1x10000xf32, #tpu.memory_space<hbm>>
      %dma_wait3A_342 = arith.constant 0 : i32
      %dma_wait3A_343 = arith.constant 0 : i32
      %dma_wait3A_344 = tpu.memref_slice %arg10[%scan3A_88, %dma_wait3A_342, %dma_wait3A_343] : memref<2x4x10000xf32, #tpu.memory_space<vmem>> -> memref<1x4x10000xf32, #tpu.memory_space<vmem>>
      %dma_wait3A_345 = tpu.memref_squeeze %dma_wait3A_344 : memref<1x4x10000xf32, #tpu.memory_space<vmem>> -> memref<4x10000xf32, #tpu.memory_space<vmem>>
      %dma_wait3A_346 = arith.constant 3 : i32
      %dma_wait3A_347 = arith.constant 0 : i32
      %dma_wait3A_348 = tpu.memref_slice %dma_wait3A_345[%dma_wait3A_346, %dma_wait3A_347] : memref<4x10000xf32, #tpu.memory_space<vmem>> -> memref<1x10000xf32, #tpu.memory_space<vmem>>
      %dma_wait3A_349 = arith.constant 0 : i32
      %dma_wait3A_350 = tpu.memref_slice %arg5[%squeeze3A_319, %dma_wait3A_349] : memref<2048x10000xf32, #tpu.memory_space<hbm>> -> memref<1x10000xf32, #tpu.memory_space<hbm>>
      tpu.wait_dma2 semaphore(%arg15 : memref<!tpu.dma_semaphore, #tpu.memory_space<semaphore_mem>>) src(%dma_wait3A_350 : memref<1x10000xf32, #tpu.memory_space<hbm>>) dst(%dma_wait3A_348 : memref<1x10000xf32, #tpu.memory_space<vmem>>)
      %add3A_351 = arith.constant 1 : i32
      %add3A_352 = arith.addi %mul3A_218, %add3A_351 : i32
      %get3A_353 = arith.index_cast %add3A_352 : i32 to index
      %get3A_354 = arith.constant 0 : index
      %get3A_355 = tpu.vector_load %arg8[%get3A_353, %get3A_354] {strides = array<i32>} : memref<64x16xi32, #tpu.memory_space<vmem>>, vector<1x16xi32>,
      %get3A_356 = vector.shape_cast %get3A_355 : vector<1x16xi32> to vector<16xi32>
      %slice3A_357 = vector.extract_strided_slice %get3A_356 {offsets = [5], sizes = [1], strides = [1]} : vector<16xi32> to vector<1xi32>
      %squeeze3A_358 = vector.extract %slice3A_357[0] : i32 from vector<1xi32>
      %eq3A_359 = arith.constant 1 : i32
      %eq3A_360 = arith.cmpi eq, %squeeze3A_358, %eq3A_359 : i32
      %convert_element_type3A_361 = arith.extui %eq3A_360 : i1 to i32
      %cond3A_362 = arith.constant 0 : i32
      %cond3A_363 = arith.cmpi ne, %convert_element_type3A_361, %cond3A_362 : i32
      scf.if %cond3A_363 {
        %scan3A_409 = arith.constant 0 : i32
        %scan3A_410 = arith.constant 0 : i32
        %scan3A_411 = arith.constant 625 : i32
        %scan3A_412 = arith.addi %scan3A_410, %scan3A_411 : i32
        %scan3A_413 = arith.constant 1 : i32
        scf.for %scan3A_417 = %scan3A_410 to %scan3A_412 step %scan3A_413  : i32 {
          %mul3A_418 = arith.constant 16 : i32
          %mul3A_419 = arith.muli %scan3A_417, %mul3A_418 : i32
          %get3A_420 = arith.constant 0 : i32
          %get3A_421 = arith.index_cast %get3A_420 : i32 to index
          %get3A_422 = arith.index_cast %mul3A_419 : i32 to index
          %get3A_423 = tpu.vector_load %arg13[%get3A_421, %get3A_422] {strides = array<i32>} : memref<1x10000xf32, #tpu.memory_space<vmem>>, vector<1x16xf32>,
          %get3A_424 = vector.shape_cast %get3A_423 : vector<1x16xf32> to vector<16xf32>
          %get3A_425 = arith.constant 0 : i32
          %get3A_426 = arith.index_cast %get3A_425 : i32 to index
          %get3A_427 = arith.index_cast %mul3A_419 : i32 to index
          %get3A_428 = tpu.vector_load %arg12[%get3A_426, %get3A_427] {strides = array<i32>} : memref<1x10000xf32, #tpu.memory_space<vmem>>, vector<1x16xf32>,
          %get3A_429 = vector.shape_cast %get3A_428 : vector<1x16xf32> to vector<16xf32>
          %get3A_430 = arith.constant 0 : i32
          %get3A_431 = arith.index_cast %get3A_430 : i32 to index
          %get3A_432 = arith.index_cast %mul3A_419 : i32 to index
          %get3A_433 = tpu.vector_load %arg11[%get3A_431, %get3A_432] {strides = array<i32>} : memref<1x10000xf32, #tpu.memory_space<vmem>>, vector<1x16xf32>,
          %get3A_434 = vector.shape_cast %get3A_433 : vector<1x16xf32> to vector<16xf32>
          %mul3A_435 = arith.mulf %get3A_429, %get3A_434 : vector<16xf32>
          %add3A_436 = arith.addf %get3A_424, %mul3A_435 : vector<16xf32>
          %swap3A = arith.constant 0 : i32
          %swap3A_437 = arith.index_cast %swap3A : i32 to index
          %swap3A_438 = arith.index_cast %mul3A_419 : i32 to index
          %swap3A_439 = tpu.vector_load %arg13[%swap3A_437, %swap3A_438] {strides = array<i32>} : memref<1x10000xf32, #tpu.memory_space<vmem>>, vector<1x16xf32>,
          %swap3A_440 = vector.shape_cast %swap3A_439 : vector<1x16xf32> to vector<16xf32>
          %swap3A_441 = vector.shape_cast %add3A_436 : vector<16xf32> to vector<1x16xf32>
          tpu.vector_store %arg13[%swap3A_437, %swap3A_438], %swap3A_441 {strides = array<i32>} : memref<1x10000xf32, #tpu.memory_space<vmem>>, vector<1x16xf32>,
          %broadcast_in_dim3A = arith.constant 0.000000e+00 : f32
          %broadcast_in_dim3A_442 = vector.broadcast %broadcast_in_dim3A : f32 to vector<16xf32>
          %swap3A_443 = arith.constant 0 : i32
          %swap3A_444 = arith.index_cast %swap3A_443 : i32 to index
          %swap3A_445 = arith.index_cast %mul3A_419 : i32 to index
          %swap3A_446 = tpu.vector_load %arg12[%swap3A_444, %swap3A_445] {strides = array<i32>} : memref<1x10000xf32, #tpu.memory_space<vmem>>, vector<1x16xf32>,
          %swap3A_447 = vector.shape_cast %swap3A_446 : vector<1x16xf32> to vector<16xf32>
          %swap3A_448 = vector.shape_cast %broadcast_in_dim3A_442 : vector<16xf32> to vector<1x16xf32>
          tpu.vector_store %arg12[%swap3A_444, %swap3A_445], %swap3A_448 {strides = array<i32>} : memref<1x10000xf32, #tpu.memory_space<vmem>>, vector<1x16xf32>,
        }
        %scan3A_414 = arith.constant 625 : i32
        %slice3A_415 = vector.extract_strided_slice %get3A_356 {offsets = [3], sizes = [1], strides = [1]} : vector<16xi32> to vector<1xi32>
        %squeeze3A_416 = vector.extract %slice3A_415[0] : i32 from vector<1xi32>
        "tpu.region"() ({
          %run_scoped3A = tpu.sem_alloc : memref<!tpu.dma_semaphore, #tpu.memory_space<semaphore_mem>>
          %dma_start3A_417 = arith.constant 0 : i32
          %dma_start3A_418 = tpu.memref_slice %arg6[%squeeze3A_416, %dma_start3A_417] : memref<2048x10000xf32, #tpu.memory_space<hbm>> -> memref<1x10000xf32, #tpu.memory_space<hbm>>
          %dma_start3A_419 = arith.constant 0 : i32
          %dma_start3A_420 = tpu.memref_slice %arg6[%squeeze3A_416, %dma_start3A_419] : memref<2048x10000xf32, #tpu.memory_space<hbm>> -> memref<1x10000xf32, #tpu.memory_space<hbm>>
          tpu.enqueue_dma source(%dma_start3A_420 : memref<1x10000xf32, #tpu.memory_space<hbm>>) target(%arg11 : memref<1x10000xf32, #tpu.memory_space<vmem>>) target_semaphore(%run_scoped3A : memref<!tpu.dma_semaphore, #tpu.memory_space<semaphore_mem>>)
          %dma_wait3A_421 = arith.constant 0 : i32
          %dma_wait3A_422 = tpu.memref_slice %arg6[%squeeze3A_416, %dma_wait3A_421] : memref<2048x10000xf32, #tpu.memory_space<hbm>> -> memref<1x10000xf32, #tpu.memory_space<hbm>>
          %dma_wait3A_423 = arith.constant 0 : i32
          %dma_wait3A_424 = tpu.memref_slice %arg6[%squeeze3A_416, %dma_wait3A_423] : memref<2048x10000xf32, #tpu.memory_space<hbm>> -> memref<1x10000xf32, #tpu.memory_space<hbm>>
          tpu.wait_dma2 semaphore(%run_scoped3A : memref<!tpu.dma_semaphore, #tpu.memory_space<semaphore_mem>>) src(%dma_wait3A_424 : memref<1x10000xf32, #tpu.memory_space<hbm>>) dst(%arg11 : memref<1x10000xf32, #tpu.memory_space<vmem>>)
          tpu.yield
        }) : () -> ()
      } else {
      }
      %scan3A_364 = arith.constant 0 : i32
      %scan3A_365 = arith.constant 0 : i32
      %scan3A_366 = arith.constant 625 : i32
      %scan3A_367 = arith.addi %scan3A_365, %scan3A_366 : i32
      %scan3A_368 = arith.constant 1 : i32
      scf.for %scan3A_409 = %scan3A_365 to %scan3A_367 step %scan3A_368  : i32 {
        %mul3A_410 = arith.constant 16 : i32
        %mul3A_411 = arith.muli %scan3A_409, %mul3A_410 : i32
        %get3A_412 = arith.constant 0 : i32
        %get3A_413 = arith.constant 0 : i32
        %get3A_414 = arith.constant 0 : i32
        %get3A_415 = tpu.memref_slice %arg10[%scan3A_88, %get3A_413, %get3A_414] : memref<2x4x10000xf32, #tpu.memory_space<vmem>> -> memref<1x4x10000xf32, #tpu.memory_space<vmem>>
        %get3A_416 = tpu.memref_squeeze %get3A_415 : memref<1x4x10000xf32, #tpu.memory_space<vmem>> -> memref<4x10000xf32, #tpu.memory_space<vmem>>
        %get3A_417 = arith.index_cast %get3A_412 : i32 to index
        %get3A_418 = arith.index_cast %mul3A_411 : i32 to index
        %get3A_419 = tpu.vector_load %get3A_416[%get3A_417, %get3A_418] {strides = array<i32>} : memref<4x10000xf32, #tpu.memory_space<vmem>>, vector<1x16xf32>,
        %get3A_420 = vector.shape_cast %get3A_419 : vector<1x16xf32> to vector<16xf32>
        %get3A_421 = arith.constant 1 : i32
        %get3A_422 = arith.constant 0 : i32
        %get3A_423 = arith.constant 0 : i32
        %get3A_424 = tpu.memref_slice %arg10[%scan3A_88, %get3A_422, %get3A_423] : memref<2x4x10000xf32, #tpu.memory_space<vmem>> -> memref<1x4x10000xf32, #tpu.memory_space<vmem>>
        %get3A_425 = tpu.memref_squeeze %get3A_424 : memref<1x4x10000xf32, #tpu.memory_space<vmem>> -> memref<4x10000xf32, #tpu.memory_space<vmem>>
        %get3A_426 = arith.index_cast %get3A_421 : i32 to index
        %get3A_427 = arith.index_cast %mul3A_411 : i32 to index
        %get3A_428 = tpu.vector_load %get3A_425[%get3A_426, %get3A_427] {strides = array<i32>} : memref<4x10000xf32, #tpu.memory_space<vmem>>, vector<1x16xf32>,
        %get3A_429 = vector.shape_cast %get3A_428 : vector<1x16xf32> to vector<16xf32>
        %add3A_430 = arith.addf %get3A_420, %get3A_429 : vector<16xf32>
        %get3A_431 = arith.constant 2 : i32
        %get3A_432 = arith.constant 0 : i32
        %get3A_433 = arith.constant 0 : i32
        %get3A_434 = tpu.memref_slice %arg10[%scan3A_88, %get3A_432, %get3A_433] : memref<2x4x10000xf32, #tpu.memory_space<vmem>> -> memref<1x4x10000xf32, #tpu.memory_space<vmem>>
        %get3A_435 = tpu.memref_squeeze %get3A_434 : memref<1x4x10000xf32, #tpu.memory_space<vmem>> -> memref<4x10000xf32, #tpu.memory_space<vmem>>
        %get3A_436 = arith.index_cast %get3A_431 : i32 to index
        %get3A_437 = arith.index_cast %mul3A_411 : i32 to index
        %get3A_438 = tpu.vector_load %get3A_435[%get3A_436, %get3A_437] {strides = array<i32>} : memref<4x10000xf32, #tpu.memory_space<vmem>>, vector<1x16xf32>,
        %get3A_439 = vector.shape_cast %get3A_438 : vector<1x16xf32> to vector<16xf32>
        %add3A_440 = arith.addf %add3A_430, %get3A_439 : vector<16xf32>
        %get3A_441 = arith.constant 0 : i32
        %get3A_442 = arith.index_cast %get3A_441 : i32 to index
        %get3A_443 = arith.index_cast %mul3A_411 : i32 to index
        %get3A_444 = tpu.vector_load %arg12[%get3A_442, %get3A_443] {strides = array<i32>} : memref<1x10000xf32, #tpu.memory_space<vmem>>, vector<1x16xf32>,
        %get3A_445 = vector.shape_cast %get3A_444 : vector<1x16xf32> to vector<16xf32>
        %get3A_446 = arith.constant 3 : i32
        %get3A_447 = arith.constant 0 : i32
        %get3A_448 = arith.constant 0 : i32
        %get3A_449 = tpu.memref_slice %arg10[%scan3A_88, %get3A_447, %get3A_448] : memref<2x4x10000xf32, #tpu.memory_space<vmem>> -> memref<1x4x10000xf32, #tpu.memory_space<vmem>>
        %get3A_450 = tpu.memref_squeeze %get3A_449 : memref<1x4x10000xf32, #tpu.memory_space<vmem>> -> memref<4x10000xf32, #tpu.memory_space<vmem>>
        %get3A_451 = arith.index_cast %get3A_446 : i32 to index
        %get3A_452 = arith.index_cast %mul3A_411 : i32 to index
        %get3A_453 = tpu.vector_load %get3A_450[%get3A_451, %get3A_452] {strides = array<i32>} : memref<4x10000xf32, #tpu.memory_space<vmem>>, vector<1x16xf32>,
        %get3A_454 = vector.shape_cast %get3A_453 : vector<1x16xf32> to vector<16xf32>
        %mul3A_455 = arith.mulf %add3A_440, %get3A_454 : vector<16xf32>
        %add3A_456 = arith.addf %get3A_445, %mul3A_455 : vector<16xf32>
        %swap3A = arith.constant 0 : i32
        %swap3A_457 = arith.index_cast %swap3A : i32 to index
        %swap3A_458 = arith.index_cast %mul3A_411 : i32 to index
        %swap3A_459 = tpu.vector_load %arg12[%swap3A_457, %swap3A_458] {strides = array<i32>} : memref<1x10000xf32, #tpu.memory_space<vmem>>, vector<1x16xf32>,
        %swap3A_460 = vector.shape_cast %swap3A_459 : vector<1x16xf32> to vector<16xf32>
        %swap3A_461 = vector.shape_cast %add3A_456 : vector<16xf32> to vector<1x16xf32>
        tpu.vector_store %arg12[%swap3A_457, %swap3A_458], %swap3A_461 {strides = array<i32>} : memref<1x10000xf32, #tpu.memory_space<vmem>>, vector<1x16xf32>,
      }
      %scan3A_369 = arith.constant 625 : i32
      %add3A_370 = arith.constant 3 : i32
      %add3A_371 = arith.addi %mul3A_218, %add3A_370 : i32
      %get3A_372 = arith.index_cast %add3A_371 : i32 to index
      %get3A_373 = arith.constant 0 : index
      %get3A_374 = tpu.vector_load %arg8[%get3A_372, %get3A_373] {strides = array<i32>} : memref<64x16xi32, #tpu.memory_space<vmem>>, vector<1x16xi32>,
      %get3A_375 = vector.shape_cast %get3A_374 : vector<1x16xi32> to vector<16xi32>
      %slice3A_376 = vector.extract_strided_slice %get3A_375 {offsets = [4], sizes = [1], strides = [1]} : vector<16xi32> to vector<1xi32>
      %squeeze3A_377 = vector.extract %slice3A_376[0] : i32 from vector<1xi32>
      %dma_start3A_378 = arith.constant 0 : i32
      %dma_start3A_379 = arith.constant 0 : i32
      %dma_start3A_380 = tpu.memref_slice %arg10[%scan3A_88, %dma_start3A_378, %dma_start3A_379] : memref<2x4x10000xf32, #tpu.memory_space<vmem>> -> memref<1x4x10000xf32, #tpu.memory_space<vmem>>
      %dma_start3A_381 = tpu.memref_squeeze %dma_start3A_380 : memref<1x4x10000xf32, #tpu.memory_space<vmem>> -> memref<4x10000xf32, #tpu.memory_space<vmem>>
      %dma_start3A_382 = arith.constant 0 : i32
      %dma_start3A_383 = arith.constant 0 : i32
      %dma_start3A_384 = tpu.memref_slice %dma_start3A_381[%dma_start3A_382, %dma_start3A_383] : memref<4x10000xf32, #tpu.memory_space<vmem>> -> memref<3x10000xf32, #tpu.memory_space<vmem>>
      %dma_start3A_385 = arith.constant 0 : i32
      %dma_start3A_386 = tpu.memref_slice %arg9[%add3A_371, %dma_start3A_385] : memref<64x3xi32, #tpu.memory_space<vmem>> -> memref<1x3xi32, #tpu.memory_space<vmem>>
      %dma_start3A_387 = tpu.memref_squeeze %dma_start3A_386 : memref<1x3xi32, #tpu.memory_space<vmem>> -> memref<3xi32, #tpu.memory_space<vmem>>
      %dma_start3A_388 = arith.constant 0 : i32
      %dma_start3A_389 = arith.constant 0 : i32
      %dma_start3A_390 = tpu.memref_slice %arg4[%dma_start3A_388, %dma_start3A_389] : memref<1024x10000xf32, #tpu.memory_space<hbm>> -> memref<1024x10000xf32, #tpu.memory_space<hbm>>
      tpu.enqueue_indirect_dma source(%dma_start3A_390 : memref<1024x10000xf32, #tpu.memory_space<hbm>>) target(%dma_start3A_384 : memref<3x10000xf32, #tpu.memory_space<vmem>>) offsets(%dma_start3A_387 : memref<3xi32, #tpu.memory_space<vmem>>) semaphore(%arg15 : memref<!tpu.dma_semaphore, #tpu.memory_space<semaphore_mem>>)
      %dma_start3A_391 = arith.constant 0 : i32
      %dma_start3A_392 = arith.constant 0 : i32
      %dma_start3A_393 = tpu.memref_slice %arg10[%scan3A_88, %dma_start3A_391, %dma_start3A_392] : memref<2x4x10000xf32, #tpu.memory_space<vmem>> -> memref<1x4x10000xf32, #tpu.memory_space<vmem>>
      %dma_start3A_394 = tpu.memref_squeeze %dma_start3A_393 : memref<1x4x10000xf32, #tpu.memory_space<vmem>> -> memref<4x10000xf32, #tpu.memory_space<vmem>>
      %dma_start3A_395 = arith.constant 3 : i32
      %dma_start3A_396 = arith.constant 0 : i32
      %dma_start3A_397 = tpu.memref_slice %dma_start3A_394[%dma_start3A_395, %dma_start3A_396] : memref<4x10000xf32, #tpu.memory_space<vmem>> -> memref<1x10000xf32, #tpu.memory_space<vmem>>
      %dma_start3A_398 = arith.constant 0 : i32
      %dma_start3A_399 = tpu.memref_slice %arg5[%squeeze3A_377, %dma_start3A_398] : memref<2048x10000xf32, #tpu.memory_space<hbm>> -> memref<1x10000xf32, #tpu.memory_space<hbm>>
      %dma_start3A_400 = arith.constant 0 : i32
      %dma_start3A_401 = arith.constant 0 : i32
      %dma_start3A_402 = tpu.memref_slice %arg10[%scan3A_88, %dma_start3A_400, %dma_start3A_401] : memref<2x4x10000xf32, #tpu.memory_space<vmem>> -> memref<1x4x10000xf32, #tpu.memory_space<vmem>>
      %dma_start3A_403 = tpu.memref_squeeze %dma_start3A_402 : memref<1x4x10000xf32, #tpu.memory_space<vmem>> -> memref<4x10000xf32, #tpu.memory_space<vmem>>
      %dma_start3A_404 = arith.constant 3 : i32
      %dma_start3A_405 = arith.constant 0 : i32
      %dma_start3A_406 = tpu.memref_slice %dma_start3A_403[%dma_start3A_404, %dma_start3A_405] : memref<4x10000xf32, #tpu.memory_space<vmem>> -> memref<1x10000xf32, #tpu.memory_space<vmem>>
      %dma_start3A_407 = arith.constant 0 : i32
      %dma_start3A_408 = tpu.memref_slice %arg5[%squeeze3A_377, %dma_start3A_407] : memref<2048x10000xf32, #tpu.memory_space<hbm>> -> memref<1x10000xf32, #tpu.memory_space<hbm>>
      tpu.enqueue_dma source(%dma_start3A_408 : memref<1x10000xf32, #tpu.memory_space<hbm>>) target(%dma_start3A_406 : memref<1x10000xf32, #tpu.memory_space<vmem>>) target_semaphore(%arg15 : memref<!tpu.dma_semaphore, #tpu.memory_space<semaphore_mem>>)
    }
    %scan3A_93 = arith.constant 31 : i32
    %get3A_94 = arith.constant 62 : i32
    %get3A_95 = arith.index_cast %get3A_94 : i32 to index
    %get3A_96 = arith.constant 0 : index
    %get3A_97 = tpu.vector_load %arg8[%get3A_95, %get3A_96] {strides = array<i32>} : memref<64x16xi32, #tpu.memory_space<vmem>>, vector<1x16xi32>,
    %get3A_98 = vector.shape_cast %get3A_97 : vector<1x16xi32> to vector<16xi32>
    %slice3A_99 = vector.extract_strided_slice %get3A_98 {offsets = [4], sizes = [1], strides = [1]} : vector<16xi32> to vector<1xi32>
    %squeeze3A_100 = vector.extract %slice3A_99[0] : i32 from vector<1xi32>
    %dma_wait3A = arith.constant 62 : i32
    %dma_wait3A_101 = arith.constant 0 : i32
    %dma_wait3A_102 = arith.constant 0 : i32
    %dma_wait3A_103 = arith.constant 0 : i32
    %dma_wait3A_104 = tpu.memref_slice %arg10[%dma_wait3A_101, %dma_wait3A_102, %dma_wait3A_103] : memref<2x4x10000xf32, #tpu.memory_space<vmem>> -> memref<1x4x10000xf32, #tpu.memory_space<vmem>>
    %dma_wait3A_105 = tpu.memref_squeeze %dma_wait3A_104 : memref<1x4x10000xf32, #tpu.memory_space<vmem>> -> memref<4x10000xf32, #tpu.memory_space<vmem>>
    %dma_wait3A_106 = arith.constant 0 : i32
    %dma_wait3A_107 = arith.constant 0 : i32
    %dma_wait3A_108 = tpu.memref_slice %dma_wait3A_105[%dma_wait3A_106, %dma_wait3A_107] : memref<4x10000xf32, #tpu.memory_space<vmem>> -> memref<3x10000xf32, #tpu.memory_space<vmem>>
    %dma_wait3A_109 = arith.constant 0 : i32
    %dma_wait3A_110 = tpu.memref_slice %arg9[%dma_wait3A, %dma_wait3A_109] : memref<64x3xi32, #tpu.memory_space<vmem>> -> memref<1x3xi32, #tpu.memory_space<vmem>>
    %dma_wait3A_111 = tpu.memref_squeeze %dma_wait3A_110 : memref<1x3xi32, #tpu.memory_space<vmem>> -> memref<3xi32, #tpu.memory_space<vmem>>
    %dma_wait3A_112 = arith.constant 0 : i32
    %dma_wait3A_113 = arith.constant 0 : i32
    %dma_wait3A_114 = tpu.memref_slice %arg4[%dma_wait3A_112, %dma_wait3A_113] : memref<1024x10000xf32, #tpu.memory_space<hbm>> -> memref<1024x10000xf32, #tpu.memory_space<hbm>>
    tpu.wait_indirect_dma semaphore(%arg14 : memref<!tpu.dma_semaphore, #tpu.memory_space<semaphore_mem>>) src(%dma_wait3A_114 : memref<1024x10000xf32, #tpu.memory_space<hbm>>) dst(%dma_wait3A_108 : memref<3x10000xf32, #tpu.memory_space<vmem>>)
    %dma_wait3A_115 = arith.constant 0 : i32
    %dma_wait3A_116 = arith.constant 0 : i32
    %dma_wait3A_117 = arith.constant 0 : i32
    %dma_wait3A_118 = tpu.memref_slice %arg10[%dma_wait3A_115, %dma_wait3A_116, %dma_wait3A_117] : memref<2x4x10000xf32, #tpu.memory_space<vmem>> -> memref<1x4x10000xf32, #tpu.memory_space<vmem>>
    %dma_wait3A_119 = tpu.memref_squeeze %dma_wait3A_118 : memref<1x4x10000xf32, #tpu.memory_space<vmem>> -> memref<4x10000xf32, #tpu.memory_space<vmem>>
    %dma_wait3A_120 = arith.constant 3 : i32
    %dma_wait3A_121 = arith.constant 0 : i32
    %dma_wait3A_122 = tpu.memref_slice %dma_wait3A_119[%dma_wait3A_120, %dma_wait3A_121] : memref<4x10000xf32, #tpu.memory_space<vmem>> -> memref<1x10000xf32, #tpu.memory_space<vmem>>
    %dma_wait3A_123 = arith.constant 0 : i32
    %dma_wait3A_124 = tpu.memref_slice %arg5[%squeeze3A_100, %dma_wait3A_123] : memref<2048x10000xf32, #tpu.memory_space<hbm>> -> memref<1x10000xf32, #tpu.memory_space<hbm>>
    %dma_wait3A_125 = arith.constant 0 : i32
    %dma_wait3A_126 = arith.constant 0 : i32
    %dma_wait3A_127 = tpu.memref_slice %arg10[%dma_wait3A_115, %dma_wait3A_125, %dma_wait3A_126] : memref<2x4x10000xf32, #tpu.memory_space<vmem>> -> memref<1x4x10000xf32, #tpu.memory_space<vmem>>
    %dma_wait3A_128 = tpu.memref_squeeze %dma_wait3A_127 : memref<1x4x10000xf32, #tpu.memory_space<vmem>> -> memref<4x10000xf32, #tpu.memory_space<vmem>>
    %dma_wait3A_129 = arith.constant 3 : i32
    %dma_wait3A_130 = arith.constant 0 : i32
    %dma_wait3A_131 = tpu.memref_slice %dma_wait3A_128[%dma_wait3A_129, %dma_wait3A_130] : memref<4x10000xf32, #tpu.memory_space<vmem>> -> memref<1x10000xf32, #tpu.memory_space<vmem>>
    %dma_wait3A_132 = arith.constant 0 : i32
    %dma_wait3A_133 = tpu.memref_slice %arg5[%squeeze3A_100, %dma_wait3A_132] : memref<2048x10000xf32, #tpu.memory_space<hbm>> -> memref<1x10000xf32, #tpu.memory_space<hbm>>
    tpu.wait_dma2 semaphore(%arg14 : memref<!tpu.dma_semaphore, #tpu.memory_space<semaphore_mem>>) src(%dma_wait3A_133 : memref<1x10000xf32, #tpu.memory_space<hbm>>) dst(%dma_wait3A_131 : memref<1x10000xf32, #tpu.memory_space<vmem>>)
    %get3A_134 = arith.constant 62 : i32
    %get3A_135 = arith.index_cast %get3A_134 : i32 to index
    %get3A_136 = arith.constant 0 : index
    %get3A_137 = tpu.vector_load %arg8[%get3A_135, %get3A_136] {strides = array<i32>} : memref<64x16xi32, #tpu.memory_space<vmem>>, vector<1x16xi32>,
    %get3A_138 = vector.shape_cast %get3A_137 : vector<1x16xi32> to vector<16xi32>
    %slice3A_139 = vector.extract_strided_slice %get3A_138 {offsets = [5], sizes = [1], strides = [1]} : vector<16xi32> to vector<1xi32>
    %squeeze3A_140 = vector.extract %slice3A_139[0] : i32 from vector<1xi32>
    %eq3A = arith.constant 1 : i32
    %eq3A_141 = arith.cmpi eq, %squeeze3A_140, %eq3A : i32
    %convert_element_type3A = arith.extui %eq3A_141 : i1 to i32
    %cond3A = arith.constant 0 : i32
    %cond3A_142 = arith.cmpi ne, %convert_element_type3A, %cond3A : i32
    scf.if %cond3A_142 {
      %scan3A_216 = arith.constant 0 : i32
      %scan3A_217 = arith.constant 0 : i32
      %scan3A_218 = arith.constant 625 : i32
      %scan3A_219 = arith.addi %scan3A_217, %scan3A_218 : i32
      %scan3A_220 = arith.constant 1 : i32
      scf.for %scan3A_224 = %scan3A_217 to %scan3A_219 step %scan3A_220  : i32 {
        %mul3A_225 = arith.constant 16 : i32
        %mul3A_226 = arith.muli %scan3A_224, %mul3A_225 : i32
        %get3A_227 = arith.constant 0 : i32
        %get3A_228 = arith.index_cast %get3A_227 : i32 to index
        %get3A_229 = arith.index_cast %mul3A_226 : i32 to index
        %get3A_230 = tpu.vector_load %arg13[%get3A_228, %get3A_229] {strides = array<i32>} : memref<1x10000xf32, #tpu.memory_space<vmem>>, vector<1x16xf32>,
        %get3A_231 = vector.shape_cast %get3A_230 : vector<1x16xf32> to vector<16xf32>
        %get3A_232 = arith.constant 0 : i32
        %get3A_233 = arith.index_cast %get3A_232 : i32 to index
        %get3A_234 = arith.index_cast %mul3A_226 : i32 to index
        %get3A_235 = tpu.vector_load %arg12[%get3A_233, %get3A_234] {strides = array<i32>} : memref<1x10000xf32, #tpu.memory_space<vmem>>, vector<1x16xf32>,
        %get3A_236 = vector.shape_cast %get3A_235 : vector<1x16xf32> to vector<16xf32>
        %get3A_237 = arith.constant 0 : i32
        %get3A_238 = arith.index_cast %get3A_237 : i32 to index
        %get3A_239 = arith.index_cast %mul3A_226 : i32 to index
        %get3A_240 = tpu.vector_load %arg11[%get3A_238, %get3A_239] {strides = array<i32>} : memref<1x10000xf32, #tpu.memory_space<vmem>>, vector<1x16xf32>,
        %get3A_241 = vector.shape_cast %get3A_240 : vector<1x16xf32> to vector<16xf32>
        %mul3A_242 = arith.mulf %get3A_236, %get3A_241 : vector<16xf32>
        %add3A_243 = arith.addf %get3A_231, %mul3A_242 : vector<16xf32>
        %swap3A = arith.constant 0 : i32
        %swap3A_244 = arith.index_cast %swap3A : i32 to index
        %swap3A_245 = arith.index_cast %mul3A_226 : i32 to index
        %swap3A_246 = tpu.vector_load %arg13[%swap3A_244, %swap3A_245] {strides = array<i32>} : memref<1x10000xf32, #tpu.memory_space<vmem>>, vector<1x16xf32>,
        %swap3A_247 = vector.shape_cast %swap3A_246 : vector<1x16xf32> to vector<16xf32>
        %swap3A_248 = vector.shape_cast %add3A_243 : vector<16xf32> to vector<1x16xf32>
        tpu.vector_store %arg13[%swap3A_244, %swap3A_245], %swap3A_248 {strides = array<i32>} : memref<1x10000xf32, #tpu.memory_space<vmem>>, vector<1x16xf32>,
        %broadcast_in_dim3A = arith.constant 0.000000e+00 : f32
        %broadcast_in_dim3A_249 = vector.broadcast %broadcast_in_dim3A : f32 to vector<16xf32>
        %swap3A_250 = arith.constant 0 : i32
        %swap3A_251 = arith.index_cast %swap3A_250 : i32 to index
        %swap3A_252 = arith.index_cast %mul3A_226 : i32 to index
        %swap3A_253 = tpu.vector_load %arg12[%swap3A_251, %swap3A_252] {strides = array<i32>} : memref<1x10000xf32, #tpu.memory_space<vmem>>, vector<1x16xf32>,
        %swap3A_254 = vector.shape_cast %swap3A_253 : vector<1x16xf32> to vector<16xf32>
        %swap3A_255 = vector.shape_cast %broadcast_in_dim3A_249 : vector<16xf32> to vector<1x16xf32>
        tpu.vector_store %arg12[%swap3A_251, %swap3A_252], %swap3A_255 {strides = array<i32>} : memref<1x10000xf32, #tpu.memory_space<vmem>>, vector<1x16xf32>,
      }
      %scan3A_221 = arith.constant 625 : i32
      %slice3A_222 = vector.extract_strided_slice %get3A_138 {offsets = [3], sizes = [1], strides = [1]} : vector<16xi32> to vector<1xi32>
      %squeeze3A_223 = vector.extract %slice3A_222[0] : i32 from vector<1xi32>
      "tpu.region"() ({
        %run_scoped3A = tpu.sem_alloc : memref<!tpu.dma_semaphore, #tpu.memory_space<semaphore_mem>>
        %dma_start3A_224 = arith.constant 0 : i32
        %dma_start3A_225 = tpu.memref_slice %arg6[%squeeze3A_223, %dma_start3A_224] : memref<2048x10000xf32, #tpu.memory_space<hbm>> -> memref<1x10000xf32, #tpu.memory_space<hbm>>
        %dma_start3A_226 = arith.constant 0 : i32
        %dma_start3A_227 = tpu.memref_slice %arg6[%squeeze3A_223, %dma_start3A_226] : memref<2048x10000xf32, #tpu.memory_space<hbm>> -> memref<1x10000xf32, #tpu.memory_space<hbm>>
        tpu.enqueue_dma source(%dma_start3A_227 : memref<1x10000xf32, #tpu.memory_space<hbm>>) target(%arg11 : memref<1x10000xf32, #tpu.memory_space<vmem>>) target_semaphore(%run_scoped3A : memref<!tpu.dma_semaphore, #tpu.memory_space<semaphore_mem>>)
        %dma_wait3A_228 = arith.constant 0 : i32
        %dma_wait3A_229 = tpu.memref_slice %arg6[%squeeze3A_223, %dma_wait3A_228] : memref<2048x10000xf32, #tpu.memory_space<hbm>> -> memref<1x10000xf32, #tpu.memory_space<hbm>>
        %dma_wait3A_230 = arith.constant 0 : i32
        %dma_wait3A_231 = tpu.memref_slice %arg6[%squeeze3A_223, %dma_wait3A_230] : memref<2048x10000xf32, #tpu.memory_space<hbm>> -> memref<1x10000xf32, #tpu.memory_space<hbm>>
        tpu.wait_dma2 semaphore(%run_scoped3A : memref<!tpu.dma_semaphore, #tpu.memory_space<semaphore_mem>>) src(%dma_wait3A_231 : memref<1x10000xf32, #tpu.memory_space<hbm>>) dst(%arg11 : memref<1x10000xf32, #tpu.memory_space<vmem>>)
        tpu.yield
      }) : () -> ()
    } else {
    }
    %scan3A_143 = arith.constant 0 : i32
    %scan3A_144 = arith.constant 0 : i32
    %scan3A_145 = arith.constant 0 : i32
    %scan3A_146 = arith.constant 625 : i32
    %scan3A_147 = arith.addi %scan3A_145, %scan3A_146 : i32
    %scan3A_148 = arith.constant 1 : i32
    scf.for %scan3A_216 = %scan3A_145 to %scan3A_147 step %scan3A_148  : i32 {
      %mul3A_217 = arith.constant 16 : i32
      %mul3A_218 = arith.muli %scan3A_216, %mul3A_217 : i32
      %get3A_219 = arith.constant 0 : i32
      %get3A_220 = arith.constant 0 : i32
      %get3A_221 = arith.constant 0 : i32
      %get3A_222 = tpu.memref_slice %arg10[%scan3A_144, %get3A_220, %get3A_221] : memref<2x4x10000xf32, #tpu.memory_space<vmem>> -> memref<1x4x10000xf32, #tpu.memory_space<vmem>>
      %get3A_223 = tpu.memref_squeeze %get3A_222 : memref<1x4x10000xf32, #tpu.memory_space<vmem>> -> memref<4x10000xf32, #tpu.memory_space<vmem>>
      %get3A_224 = arith.index_cast %get3A_219 : i32 to index
      %get3A_225 = arith.index_cast %mul3A_218 : i32 to index
      %get3A_226 = tpu.vector_load %get3A_223[%get3A_224, %get3A_225] {strides = array<i32>} : memref<4x10000xf32, #tpu.memory_space<vmem>>, vector<1x16xf32>,
      %get3A_227 = vector.shape_cast %get3A_226 : vector<1x16xf32> to vector<16xf32>
      %get3A_228 = arith.constant 1 : i32
      %get3A_229 = arith.constant 0 : i32
      %get3A_230 = arith.constant 0 : i32
      %get3A_231 = tpu.memref_slice %arg10[%scan3A_144, %get3A_229, %get3A_230] : memref<2x4x10000xf32, #tpu.memory_space<vmem>> -> memref<1x4x10000xf32, #tpu.memory_space<vmem>>
      %get3A_232 = tpu.memref_squeeze %get3A_231 : memref<1x4x10000xf32, #tpu.memory_space<vmem>> -> memref<4x10000xf32, #tpu.memory_space<vmem>>
      %get3A_233 = arith.index_cast %get3A_228 : i32 to index
      %get3A_234 = arith.index_cast %mul3A_218 : i32 to index
      %get3A_235 = tpu.vector_load %get3A_232[%get3A_233, %get3A_234] {strides = array<i32>} : memref<4x10000xf32, #tpu.memory_space<vmem>>, vector<1x16xf32>,
      %get3A_236 = vector.shape_cast %get3A_235 : vector<1x16xf32> to vector<16xf32>
      %add3A_237 = arith.addf %get3A_227, %get3A_236 : vector<16xf32>
      %get3A_238 = arith.constant 2 : i32
      %get3A_239 = arith.constant 0 : i32
      %get3A_240 = arith.constant 0 : i32
      %get3A_241 = tpu.memref_slice %arg10[%scan3A_144, %get3A_239, %get3A_240] : memref<2x4x10000xf32, #tpu.memory_space<vmem>> -> memref<1x4x10000xf32, #tpu.memory_space<vmem>>
      %get3A_242 = tpu.memref_squeeze %get3A_241 : memref<1x4x10000xf32, #tpu.memory_space<vmem>> -> memref<4x10000xf32, #tpu.memory_space<vmem>>
      %get3A_243 = arith.index_cast %get3A_238 : i32 to index
      %get3A_244 = arith.index_cast %mul3A_218 : i32 to index
      %get3A_245 = tpu.vector_load %get3A_242[%get3A_243, %get3A_244] {strides = array<i32>} : memref<4x10000xf32, #tpu.memory_space<vmem>>, vector<1x16xf32>,
      %get3A_246 = vector.shape_cast %get3A_245 : vector<1x16xf32> to vector<16xf32>
      %add3A_247 = arith.addf %add3A_237, %get3A_246 : vector<16xf32>
      %get3A_248 = arith.constant 0 : i32
      %get3A_249 = arith.index_cast %get3A_248 : i32 to index
      %get3A_250 = arith.index_cast %mul3A_218 : i32 to index
      %get3A_251 = tpu.vector_load %arg12[%get3A_249, %get3A_250] {strides = array<i32>} : memref<1x10000xf32, #tpu.memory_space<vmem>>, vector<1x16xf32>,
      %get3A_252 = vector.shape_cast %get3A_251 : vector<1x16xf32> to vector<16xf32>
      %get3A_253 = arith.constant 3 : i32
      %get3A_254 = arith.constant 0 : i32
      %get3A_255 = arith.constant 0 : i32
      %get3A_256 = tpu.memref_slice %arg10[%scan3A_144, %get3A_254, %get3A_255] : memref<2x4x10000xf32, #tpu.memory_space<vmem>> -> memref<1x4x10000xf32, #tpu.memory_space<vmem>>
      %get3A_257 = tpu.memref_squeeze %get3A_256 : memref<1x4x10000xf32, #tpu.memory_space<vmem>> -> memref<4x10000xf32, #tpu.memory_space<vmem>>
      %get3A_258 = arith.index_cast %get3A_253 : i32 to index
      %get3A_259 = arith.index_cast %mul3A_218 : i32 to index
      %get3A_260 = tpu.vector_load %get3A_257[%get3A_258, %get3A_259] {strides = array<i32>} : memref<4x10000xf32, #tpu.memory_space<vmem>>, vector<1x16xf32>,
      %get3A_261 = vector.shape_cast %get3A_260 : vector<1x16xf32> to vector<16xf32>
      %mul3A_262 = arith.mulf %add3A_247, %get3A_261 : vector<16xf32>
      %add3A_263 = arith.addf %get3A_252, %mul3A_262 : vector<16xf32>
      %swap3A = arith.constant 0 : i32
      %swap3A_264 = arith.index_cast %swap3A : i32 to index
      %swap3A_265 = arith.index_cast %mul3A_218 : i32 to index
      %swap3A_266 = tpu.vector_load %arg12[%swap3A_264, %swap3A_265] {strides = array<i32>} : memref<1x10000xf32, #tpu.memory_space<vmem>>, vector<1x16xf32>,
      %swap3A_267 = vector.shape_cast %swap3A_266 : vector<1x16xf32> to vector<16xf32>
      %swap3A_268 = vector.shape_cast %add3A_263 : vector<16xf32> to vector<1x16xf32>
      tpu.vector_store %arg12[%swap3A_264, %swap3A_265], %swap3A_268 {strides = array<i32>} : memref<1x10000xf32, #tpu.memory_space<vmem>>, vector<1x16xf32>,
    }
    %scan3A_149 = arith.constant 625 : i32
    %get3A_150 = arith.constant 63 : i32
    %get3A_151 = arith.index_cast %get3A_150 : i32 to index
    %get3A_152 = arith.constant 0 : index
    %get3A_153 = tpu.vector_load %arg8[%get3A_151, %get3A_152] {strides = array<i32>} : memref<64x16xi32, #tpu.memory_space<vmem>>, vector<1x16xi32>,
    %get3A_154 = vector.shape_cast %get3A_153 : vector<1x16xi32> to vector<16xi32>
    %slice3A_155 = vector.extract_strided_slice %get3A_154 {offsets = [4], sizes = [1], strides = [1]} : vector<16xi32> to vector<1xi32>
    %squeeze3A_156 = vector.extract %slice3A_155[0] : i32 from vector<1xi32>
    %dma_wait3A_157 = arith.constant 63 : i32
    %dma_wait3A_158 = arith.constant 1 : i32
    %dma_wait3A_159 = arith.constant 0 : i32
    %dma_wait3A_160 = arith.constant 0 : i32
    %dma_wait3A_161 = tpu.memref_slice %arg10[%dma_wait3A_158, %dma_wait3A_159, %dma_wait3A_160] : memref<2x4x10000xf32, #tpu.memory_space<vmem>> -> memref<1x4x10000xf32, #tpu.memory_space<vmem>>
    %dma_wait3A_162 = tpu.memref_squeeze %dma_wait3A_161 : memref<1x4x10000xf32, #tpu.memory_space<vmem>> -> memref<4x10000xf32, #tpu.memory_space<vmem>>
    %dma_wait3A_163 = arith.constant 0 : i32
    %dma_wait3A_164 = arith.constant 0 : i32
    %dma_wait3A_165 = tpu.memref_slice %dma_wait3A_162[%dma_wait3A_163, %dma_wait3A_164] : memref<4x10000xf32, #tpu.memory_space<vmem>> -> memref<3x10000xf32, #tpu.memory_space<vmem>>
    %dma_wait3A_166 = arith.constant 0 : i32
    %dma_wait3A_167 = tpu.memref_slice %arg9[%dma_wait3A_157, %dma_wait3A_166] : memref<64x3xi32, #tpu.memory_space<vmem>> -> memref<1x3xi32, #tpu.memory_space<vmem>>
    %dma_wait3A_168 = tpu.memref_squeeze %dma_wait3A_167 : memref<1x3xi32, #tpu.memory_space<vmem>> -> memref<3xi32, #tpu.memory_space<vmem>>
    %dma_wait3A_169 = arith.constant 0 : i32
    %dma_wait3A_170 = arith.constant 0 : i32
    %dma_wait3A_171 = tpu.memref_slice %arg4[%dma_wait3A_169, %dma_wait3A_170] : memref<1024x10000xf32, #tpu.memory_space<hbm>> -> memref<1024x10000xf32, #tpu.memory_space<hbm>>
    tpu.wait_indirect_dma semaphore(%arg15 : memref<!tpu.dma_semaphore, #tpu.memory_space<semaphore_mem>>) src(%dma_wait3A_171 : memref<1024x10000xf32, #tpu.memory_space<hbm>>) dst(%dma_wait3A_165 : memref<3x10000xf32, #tpu.memory_space<vmem>>)
    %dma_wait3A_172 = arith.constant 1 : i32
    %dma_wait3A_173 = arith.constant 0 : i32
    %dma_wait3A_174 = arith.constant 0 : i32
    %dma_wait3A_175 = tpu.memref_slice %arg10[%dma_wait3A_172, %dma_wait3A_173, %dma_wait3A_174] : memref<2x4x10000xf32, #tpu.memory_space<vmem>> -> memref<1x4x10000xf32, #tpu.memory_space<vmem>>
    %dma_wait3A_176 = tpu.memref_squeeze %dma_wait3A_175 : memref<1x4x10000xf32, #tpu.memory_space<vmem>> -> memref<4x10000xf32, #tpu.memory_space<vmem>>
    %dma_wait3A_177 = arith.constant 3 : i32
    %dma_wait3A_178 = arith.constant 0 : i32
    %dma_wait3A_179 = tpu.memref_slice %dma_wait3A_176[%dma_wait3A_177, %dma_wait3A_178] : memref<4x10000xf32, #tpu.memory_space<vmem>> -> memref<1x10000xf32, #tpu.memory_space<vmem>>
    %dma_wait3A_180 = arith.constant 0 : i32
    %dma_wait3A_181 = tpu.memref_slice %arg5[%squeeze3A_156, %dma_wait3A_180] : memref<2048x10000xf32, #tpu.memory_space<hbm>> -> memref<1x10000xf32, #tpu.memory_space<hbm>>
    %dma_wait3A_182 = arith.constant 0 : i32
    %dma_wait3A_183 = arith.constant 0 : i32
    %dma_wait3A_184 = tpu.memref_slice %arg10[%dma_wait3A_172, %dma_wait3A_182, %dma_wait3A_183] : memref<2x4x10000xf32, #tpu.memory_space<vmem>> -> memref<1x4x10000xf32, #tpu.memory_space<vmem>>
    %dma_wait3A_185 = tpu.memref_squeeze %dma_wait3A_184 : memref<1x4x10000xf32, #tpu.memory_space<vmem>> -> memref<4x10000xf32, #tpu.memory_space<vmem>>
    %dma_wait3A_186 = arith.constant 3 : i32
    %dma_wait3A_187 = arith.constant 0 : i32
    %dma_wait3A_188 = tpu.memref_slice %dma_wait3A_185[%dma_wait3A_186, %dma_wait3A_187] : memref<4x10000xf32, #tpu.memory_space<vmem>> -> memref<1x10000xf32, #tpu.memory_space<vmem>>
    %dma_wait3A_189 = arith.constant 0 : i32
    %dma_wait3A_190 = tpu.memref_slice %arg5[%squeeze3A_156, %dma_wait3A_189] : memref<2048x10000xf32, #tpu.memory_space<hbm>> -> memref<1x10000xf32, #tpu.memory_space<hbm>>
    tpu.wait_dma2 semaphore(%arg15 : memref<!tpu.dma_semaphore, #tpu.memory_space<semaphore_mem>>) src(%dma_wait3A_190 : memref<1x10000xf32, #tpu.memory_space<hbm>>) dst(%dma_wait3A_188 : memref<1x10000xf32, #tpu.memory_space<vmem>>)
    %get3A_191 = arith.constant 63 : i32
    %get3A_192 = arith.index_cast %get3A_191 : i32 to index
    %get3A_193 = arith.constant 0 : index
    %get3A_194 = tpu.vector_load %arg8[%get3A_192, %get3A_193] {strides = array<i32>} : memref<64x16xi32, #tpu.memory_space<vmem>>, vector<1x16xi32>,
    %get3A_195 = vector.shape_cast %get3A_194 : vector<1x16xi32> to vector<16xi32>
    %slice3A_196 = vector.extract_strided_slice %get3A_195 {offsets = [5], sizes = [1], strides = [1]} : vector<16xi32> to vector<1xi32>
    %squeeze3A_197 = vector.extract %slice3A_196[0] : i32 from vector<1xi32>
    %eq3A_198 = arith.constant 1 : i32
    %eq3A_199 = arith.cmpi eq, %squeeze3A_197, %eq3A_198 : i32
    %convert_element_type3A_200 = arith.extui %eq3A_199 : i1 to i32
    %cond3A_201 = arith.constant 0 : i32
    %cond3A_202 = arith.cmpi ne, %convert_element_type3A_200, %cond3A_201 : i32
    scf.if %cond3A_202 {
      %scan3A_216 = arith.constant 0 : i32
      %scan3A_217 = arith.constant 0 : i32
      %scan3A_218 = arith.constant 625 : i32
      %scan3A_219 = arith.addi %scan3A_217, %scan3A_218 : i32
      %scan3A_220 = arith.constant 1 : i32
      scf.for %scan3A_224 = %scan3A_217 to %scan3A_219 step %scan3A_220  : i32 {
        %mul3A_225 = arith.constant 16 : i32
        %mul3A_226 = arith.muli %scan3A_224, %mul3A_225 : i32
        %get3A_227 = arith.constant 0 : i32
        %get3A_228 = arith.index_cast %get3A_227 : i32 to index
        %get3A_229 = arith.index_cast %mul3A_226 : i32 to index
        %get3A_230 = tpu.vector_load %arg13[%get3A_228, %get3A_229] {strides = array<i32>} : memref<1x10000xf32, #tpu.memory_space<vmem>>, vector<1x16xf32>,
        %get3A_231 = vector.shape_cast %get3A_230 : vector<1x16xf32> to vector<16xf32>
        %get3A_232 = arith.constant 0 : i32
        %get3A_233 = arith.index_cast %get3A_232 : i32 to index
        %get3A_234 = arith.index_cast %mul3A_226 : i32 to index
        %get3A_235 = tpu.vector_load %arg12[%get3A_233, %get3A_234] {strides = array<i32>} : memref<1x10000xf32, #tpu.memory_space<vmem>>, vector<1x16xf32>,
        %get3A_236 = vector.shape_cast %get3A_235 : vector<1x16xf32> to vector<16xf32>
        %get3A_237 = arith.constant 0 : i32
        %get3A_238 = arith.index_cast %get3A_237 : i32 to index
        %get3A_239 = arith.index_cast %mul3A_226 : i32 to index
        %get3A_240 = tpu.vector_load %arg11[%get3A_238, %get3A_239] {strides = array<i32>} : memref<1x10000xf32, #tpu.memory_space<vmem>>, vector<1x16xf32>,
        %get3A_241 = vector.shape_cast %get3A_240 : vector<1x16xf32> to vector<16xf32>
        %mul3A_242 = arith.mulf %get3A_236, %get3A_241 : vector<16xf32>
        %add3A_243 = arith.addf %get3A_231, %mul3A_242 : vector<16xf32>
        %swap3A = arith.constant 0 : i32
        %swap3A_244 = arith.index_cast %swap3A : i32 to index
        %swap3A_245 = arith.index_cast %mul3A_226 : i32 to index
        %swap3A_246 = tpu.vector_load %arg13[%swap3A_244, %swap3A_245] {strides = array<i32>} : memref<1x10000xf32, #tpu.memory_space<vmem>>, vector<1x16xf32>,
        %swap3A_247 = vector.shape_cast %swap3A_246 : vector<1x16xf32> to vector<16xf32>
        %swap3A_248 = vector.shape_cast %add3A_243 : vector<16xf32> to vector<1x16xf32>
        tpu.vector_store %arg13[%swap3A_244, %swap3A_245], %swap3A_248 {strides = array<i32>} : memref<1x10000xf32, #tpu.memory_space<vmem>>, vector<1x16xf32>,
        %broadcast_in_dim3A = arith.constant 0.000000e+00 : f32
        %broadcast_in_dim3A_249 = vector.broadcast %broadcast_in_dim3A : f32 to vector<16xf32>
        %swap3A_250 = arith.constant 0 : i32
        %swap3A_251 = arith.index_cast %swap3A_250 : i32 to index
        %swap3A_252 = arith.index_cast %mul3A_226 : i32 to index
        %swap3A_253 = tpu.vector_load %arg12[%swap3A_251, %swap3A_252] {strides = array<i32>} : memref<1x10000xf32, #tpu.memory_space<vmem>>, vector<1x16xf32>,
        %swap3A_254 = vector.shape_cast %swap3A_253 : vector<1x16xf32> to vector<16xf32>
        %swap3A_255 = vector.shape_cast %broadcast_in_dim3A_249 : vector<16xf32> to vector<1x16xf32>
        tpu.vector_store %arg12[%swap3A_251, %swap3A_252], %swap3A_255 {strides = array<i32>} : memref<1x10000xf32, #tpu.memory_space<vmem>>, vector<1x16xf32>,
      }
      %scan3A_221 = arith.constant 625 : i32
      %slice3A_222 = vector.extract_strided_slice %get3A_195 {offsets = [3], sizes = [1], strides = [1]} : vector<16xi32> to vector<1xi32>
      %squeeze3A_223 = vector.extract %slice3A_222[0] : i32 from vector<1xi32>
      "tpu.region"() ({
        %run_scoped3A = tpu.sem_alloc : memref<!tpu.dma_semaphore, #tpu.memory_space<semaphore_mem>>
        %dma_start3A_224 = arith.constant 0 : i32
        %dma_start3A_225 = tpu.memref_slice %arg6[%squeeze3A_223, %dma_start3A_224] : memref<2048x10000xf32, #tpu.memory_space<hbm>> -> memref<1x10000xf32, #tpu.memory_space<hbm>>
        %dma_start3A_226 = arith.constant 0 : i32
        %dma_start3A_227 = tpu.memref_slice %arg6[%squeeze3A_223, %dma_start3A_226] : memref<2048x10000xf32, #tpu.memory_space<hbm>> -> memref<1x10000xf32, #tpu.memory_space<hbm>>
        tpu.enqueue_dma source(%dma_start3A_227 : memref<1x10000xf32, #tpu.memory_space<hbm>>) target(%arg11 : memref<1x10000xf32, #tpu.memory_space<vmem>>) target_semaphore(%run_scoped3A : memref<!tpu.dma_semaphore, #tpu.memory_space<semaphore_mem>>)
        %dma_wait3A_228 = arith.constant 0 : i32
        %dma_wait3A_229 = tpu.memref_slice %arg6[%squeeze3A_223, %dma_wait3A_228] : memref<2048x10000xf32, #tpu.memory_space<hbm>> -> memref<1x10000xf32, #tpu.memory_space<hbm>>
        %dma_wait3A_230 = arith.constant 0 : i32
        %dma_wait3A_231 = tpu.memref_slice %arg6[%squeeze3A_223, %dma_wait3A_230] : memref<2048x10000xf32, #tpu.memory_space<hbm>> -> memref<1x10000xf32, #tpu.memory_space<hbm>>
        tpu.wait_dma2 semaphore(%run_scoped3A : memref<!tpu.dma_semaphore, #tpu.memory_space<semaphore_mem>>) src(%dma_wait3A_231 : memref<1x10000xf32, #tpu.memory_space<hbm>>) dst(%arg11 : memref<1x10000xf32, #tpu.memory_space<vmem>>)
        tpu.yield
      }) : () -> ()
    } else {
    }
    %scan3A_203 = arith.constant 0 : i32
    %scan3A_204 = arith.constant 1 : i32
    %scan3A_205 = arith.constant 0 : i32
    %scan3A_206 = arith.constant 625 : i32
    %scan3A_207 = arith.addi %scan3A_205, %scan3A_206 : i32
    %scan3A_208 = arith.constant 1 : i32
    scf.for %scan3A_216 = %scan3A_205 to %scan3A_207 step %scan3A_208  : i32 {
      %mul3A_217 = arith.constant 16 : i32
      %mul3A_218 = arith.muli %scan3A_216, %mul3A_217 : i32
      %get3A_219 = arith.constant 0 : i32
      %get3A_220 = arith.constant 0 : i32
      %get3A_221 = arith.constant 0 : i32
      %get3A_222 = tpu.memref_slice %arg10[%scan3A_204, %get3A_220, %get3A_221] : memref<2x4x10000xf32, #tpu.memory_space<vmem>> -> memref<1x4x10000xf32, #tpu.memory_space<vmem>>
      %get3A_223 = tpu.memref_squeeze %get3A_222 : memref<1x4x10000xf32, #tpu.memory_space<vmem>> -> memref<4x10000xf32, #tpu.memory_space<vmem>>
      %get3A_224 = arith.index_cast %get3A_219 : i32 to index
      %get3A_225 = arith.index_cast %mul3A_218 : i32 to index
      %get3A_226 = tpu.vector_load %get3A_223[%get3A_224, %get3A_225] {strides = array<i32>} : memref<4x10000xf32, #tpu.memory_space<vmem>>, vector<1x16xf32>,
      %get3A_227 = vector.shape_cast %get3A_226 : vector<1x16xf32> to vector<16xf32>
      %get3A_228 = arith.constant 1 : i32
      %get3A_229 = arith.constant 0 : i32
      %get3A_230 = arith.constant 0 : i32
      %get3A_231 = tpu.memref_slice %arg10[%scan3A_204, %get3A_229, %get3A_230] : memref<2x4x10000xf32, #tpu.memory_space<vmem>> -> memref<1x4x10000xf32, #tpu.memory_space<vmem>>
      %get3A_232 = tpu.memref_squeeze %get3A_231 : memref<1x4x10000xf32, #tpu.memory_space<vmem>> -> memref<4x10000xf32, #tpu.memory_space<vmem>>
      %get3A_233 = arith.index_cast %get3A_228 : i32 to index
      %get3A_234 = arith.index_cast %mul3A_218 : i32 to index
      %get3A_235 = tpu.vector_load %get3A_232[%get3A_233, %get3A_234] {strides = array<i32>} : memref<4x10000xf32, #tpu.memory_space<vmem>>, vector<1x16xf32>,
      %get3A_236 = vector.shape_cast %get3A_235 : vector<1x16xf32> to vector<16xf32>
      %add3A_237 = arith.addf %get3A_227, %get3A_236 : vector<16xf32>
      %get3A_238 = arith.constant 2 : i32
      %get3A_239 = arith.constant 0 : i32
      %get3A_240 = arith.constant 0 : i32
      %get3A_241 = tpu.memref_slice %arg10[%scan3A_204, %get3A_239, %get3A_240] : memref<2x4x10000xf32, #tpu.memory_space<vmem>> -> memref<1x4x10000xf32, #tpu.memory_space<vmem>>
      %get3A_242 = tpu.memref_squeeze %get3A_241 : memref<1x4x10000xf32, #tpu.memory_space<vmem>> -> memref<4x10000xf32, #tpu.memory_space<vmem>>
      %get3A_243 = arith.index_cast %get3A_238 : i32 to index
      %get3A_244 = arith.index_cast %mul3A_218 : i32 to index
      %get3A_245 = tpu.vector_load %get3A_242[%get3A_243, %get3A_244] {strides = array<i32>} : memref<4x10000xf32, #tpu.memory_space<vmem>>, vector<1x16xf32>,
      %get3A_246 = vector.shape_cast %get3A_245 : vector<1x16xf32> to vector<16xf32>
      %add3A_247 = arith.addf %add3A_237, %get3A_246 : vector<16xf32>
      %get3A_248 = arith.constant 0 : i32
      %get3A_249 = arith.index_cast %get3A_248 : i32 to index
      %get3A_250 = arith.index_cast %mul3A_218 : i32 to index
      %get3A_251 = tpu.vector_load %arg12[%get3A_249, %get3A_250] {strides = array<i32>} : memref<1x10000xf32, #tpu.memory_space<vmem>>, vector<1x16xf32>,
      %get3A_252 = vector.shape_cast %get3A_251 : vector<1x16xf32> to vector<16xf32>
      %get3A_253 = arith.constant 3 : i32
      %get3A_254 = arith.constant 0 : i32
      %get3A_255 = arith.constant 0 : i32
      %get3A_256 = tpu.memref_slice %arg10[%scan3A_204, %get3A_254, %get3A_255] : memref<2x4x10000xf32, #tpu.memory_space<vmem>> -> memref<1x4x10000xf32, #tpu.memory_space<vmem>>
      %get3A_257 = tpu.memref_squeeze %get3A_256 : memref<1x4x10000xf32, #tpu.memory_space<vmem>> -> memref<4x10000xf32, #tpu.memory_space<vmem>>
      %get3A_258 = arith.index_cast %get3A_253 : i32 to index
      %get3A_259 = arith.index_cast %mul3A_218 : i32 to index
      %get3A_260 = tpu.vector_load %get3A_257[%get3A_258, %get3A_259] {strides = array<i32>} : memref<4x10000xf32, #tpu.memory_space<vmem>>, vector<1x16xf32>,
      %get3A_261 = vector.shape_cast %get3A_260 : vector<1x16xf32> to vector<16xf32>
      %mul3A_262 = arith.mulf %add3A_247, %get3A_261 : vector<16xf32>
      %add3A_263 = arith.addf %get3A_252, %mul3A_262 : vector<16xf32>
      %swap3A = arith.constant 0 : i32
      %swap3A_264 = arith.index_cast %swap3A : i32 to index
      %swap3A_265 = arith.index_cast %mul3A_218 : i32 to index
      %swap3A_266 = tpu.vector_load %arg12[%swap3A_264, %swap3A_265] {strides = array<i32>} : memref<1x10000xf32, #tpu.memory_space<vmem>>, vector<1x16xf32>,
      %swap3A_267 = vector.shape_cast %swap3A_266 : vector<1x16xf32> to vector<16xf32>
      %swap3A_268 = vector.shape_cast %add3A_263 : vector<16xf32> to vector<1x16xf32>
      tpu.vector_store %arg12[%swap3A_264, %swap3A_265], %swap3A_268 {strides = array<i32>} : memref<1x10000xf32, #tpu.memory_space<vmem>>, vector<1x16xf32>,
    }
    %scan3A_209 = arith.constant 625 : i32
    %scan3A_210 = arith.constant 0 : i32
    %scan3A_211 = arith.constant 0 : i32
    %scan3A_212 = arith.constant 625 : i32
    %scan3A_213 = arith.addi %scan3A_211, %scan3A_212 : i32
    %scan3A_214 = arith.constant 1 : i32
    scf.for %scan3A_216 = %scan3A_211 to %scan3A_213 step %scan3A_214  : i32 {
      %mul3A_217 = arith.constant 16 : i32
      %mul3A_218 = arith.muli %scan3A_216, %mul3A_217 : i32
      %get3A_219 = arith.constant 0 : i32
      %get3A_220 = arith.index_cast %get3A_219 : i32 to index
      %get3A_221 = arith.index_cast %mul3A_218 : i32 to index
      %get3A_222 = tpu.vector_load %arg13[%get3A_220, %get3A_221] {strides = array<i32>} : memref<1x10000xf32, #tpu.memory_space<vmem>>, vector<1x16xf32>,
      %get3A_223 = vector.shape_cast %get3A_222 : vector<1x16xf32> to vector<16xf32>
      %get3A_224 = arith.constant 0 : i32
      %get3A_225 = arith.index_cast %get3A_224 : i32 to index
      %get3A_226 = arith.index_cast %mul3A_218 : i32 to index
      %get3A_227 = tpu.vector_load %arg12[%get3A_225, %get3A_226] {strides = array<i32>} : memref<1x10000xf32, #tpu.memory_space<vmem>>, vector<1x16xf32>,
      %get3A_228 = vector.shape_cast %get3A_227 : vector<1x16xf32> to vector<16xf32>
      %get3A_229 = arith.constant 0 : i32
      %get3A_230 = arith.index_cast %get3A_229 : i32 to index
      %get3A_231 = arith.index_cast %mul3A_218 : i32 to index
      %get3A_232 = tpu.vector_load %arg11[%get3A_230, %get3A_231] {strides = array<i32>} : memref<1x10000xf32, #tpu.memory_space<vmem>>, vector<1x16xf32>,
      %get3A_233 = vector.shape_cast %get3A_232 : vector<1x16xf32> to vector<16xf32>
      %mul3A_234 = arith.mulf %get3A_228, %get3A_233 : vector<16xf32>
      %add3A_235 = arith.addf %get3A_223, %mul3A_234 : vector<16xf32>
      %swap3A = arith.constant 0 : i32
      %swap3A_236 = arith.index_cast %swap3A : i32 to index
      %swap3A_237 = arith.index_cast %mul3A_218 : i32 to index
      %swap3A_238 = tpu.vector_load %arg13[%swap3A_236, %swap3A_237] {strides = array<i32>} : memref<1x10000xf32, #tpu.memory_space<vmem>>, vector<1x16xf32>,
      %swap3A_239 = vector.shape_cast %swap3A_238 : vector<1x16xf32> to vector<16xf32>
      %swap3A_240 = vector.shape_cast %add3A_235 : vector<16xf32> to vector<1x16xf32>
      tpu.vector_store %arg13[%swap3A_236, %swap3A_237], %swap3A_240 {strides = array<i32>} : memref<1x10000xf32, #tpu.memory_space<vmem>>, vector<1x16xf32>,
      %broadcast_in_dim3A = arith.constant 0.000000e+00 : f32
      %broadcast_in_dim3A_241 = vector.broadcast %broadcast_in_dim3A : f32 to vector<16xf32>
      %swap3A_242 = arith.constant 0 : i32
      %swap3A_243 = arith.index_cast %swap3A_242 : i32 to index
      %swap3A_244 = arith.index_cast %mul3A_218 : i32 to index
      %swap3A_245 = tpu.vector_load %arg12[%swap3A_243, %swap3A_244] {strides = array<i32>} : memref<1x10000xf32, #tpu.memory_space<vmem>>, vector<1x16xf32>,
      %swap3A_246 = vector.shape_cast %swap3A_245 : vector<1x16xf32> to vector<16xf32>
      %swap3A_247 = vector.shape_cast %broadcast_in_dim3A_241 : vector<16xf32> to vector<1x16xf32>
      tpu.vector_store %arg12[%swap3A_243, %swap3A_244], %swap3A_247 {strides = array<i32>} : memref<1x10000xf32, #tpu.memory_space<vmem>>, vector<1x16xf32>,
    }
    %scan3A_215 = arith.constant 625 : i32
    "tpu.region"() ({
      %run_scoped3A = tpu.sem_alloc : memref<!tpu.dma_semaphore, #tpu.memory_space<semaphore_mem>>
      %dma_start3A_216 = arith.constant 0 : i32
      %dma_start3A_217 = tpu.memref_slice %arg7[%add3A, %dma_start3A_216] : memref<32x10000xf32, #tpu.memory_space<hbm>> -> memref<1x10000xf32, #tpu.memory_space<hbm>>
      %dma_start3A_218 = arith.constant 0 : i32
      %dma_start3A_219 = tpu.memref_slice %arg7[%add3A, %dma_start3A_218] : memref<32x10000xf32, #tpu.memory_space<hbm>> -> memref<1x10000xf32, #tpu.memory_space<hbm>>
      tpu.enqueue_dma source(%arg13 : memref<1x10000xf32, #tpu.memory_space<vmem>>) target(%dma_start3A_219 : memref<1x10000xf32, #tpu.memory_space<hbm>>) target_semaphore(%run_scoped3A : memref<!tpu.dma_semaphore, #tpu.memory_space<semaphore_mem>>)
      %dma_wait3A_220 = arith.constant 0 : i32
      %dma_wait3A_221 = tpu.memref_slice %arg7[%add3A, %dma_wait3A_220] : memref<32x10000xf32, #tpu.memory_space<hbm>> -> memref<1x10000xf32, #tpu.memory_space<hbm>>
      %dma_wait3A_222 = arith.constant 0 : i32
      %dma_wait3A_223 = tpu.memref_slice %arg7[%add3A, %dma_wait3A_222] : memref<32x10000xf32, #tpu.memory_space<hbm>> -> memref<1x10000xf32, #tpu.memory_space<hbm>>
      tpu.wait_dma2 semaphore(%run_scoped3A : memref<!tpu.dma_semaphore, #tpu.memory_space<semaphore_mem>>) src(%arg13 : memref<1x10000xf32, #tpu.memory_space<vmem>>) dst(%dma_wait3A_223 : memref<1x10000xf32, #tpu.memory_space<hbm>>)
      tpu.yield
    }) : () -> ()
    return
  }
}

module attributes {stable_mosaic.version = 14 : i64} {
  func.func @_tc_combine_body(%arg0: memref<32x10000xf32, #tpu.memory_space<vmem>>, %arg1: memref<1x10000xf32, #tpu.memory_space<vmem>>, %arg2: memref<1x10000xf32, #tpu.memory_space<vmem>>) attributes {dimension_semantics = [], scalar_prefetch = 0 : i64, scratch_operands = 0 : i64, tpu.core_type = #tpu.core_type<tc>} {
    %get3A = arith.constant 0 : index
    %get3A_0 = arith.constant 0 : index
    %get3A_1 = vector.load %arg0[%get3A, %get3A_0] : memref<32x10000xf32, #tpu.memory_space<vmem>>, vector<32x10000xf32>
    %reduce_sum3A = arith.constant dense<0.000000e+00> : vector<10000xf32>
    %reduce_sum3A_2 = vector.multi_reduction <add>, %get3A_1, %reduce_sum3A [0] : vector<32x10000xf32> to vector<10000xf32>
    %broadcast_in_dim3A = vector.shape_cast %reduce_sum3A_2 : vector<10000xf32> to vector<1x10000xf32>
    %get3A_3 = arith.constant 0 : index
    %get3A_4 = arith.constant 0 : index
    %get3A_5 = vector.load %arg1[%get3A_3, %get3A_4] : memref<1x10000xf32, #tpu.memory_space<vmem>>, vector<1x10000xf32>
    %mul3A = arith.mulf %broadcast_in_dim3A, %get3A_5 : vector<1x10000xf32>
    %gt3A = arith.constant 0.000000e+00 : f32
    %gt3A_6 = vector.broadcast %gt3A : f32 to vector<1x10000xf32>
    %gt3A_7 = arith.cmpf ogt, %mul3A, %gt3A_6 : vector<1x10000xf32>
    %jit3A = arith.constant 1.000000e+00 : f32
    %jit3A_8 = arith.constant -1.000000e+00 : f32
    %broadcast_in_dim3A_9 = vector.broadcast %jit3A : f32 to vector<1x10000xf32>
    %broadcast_in_dim3A_10 = vector.broadcast %jit3A_8 : f32 to vector<1x10000xf32>
    %select_n3A = arith.select %gt3A_7, %broadcast_in_dim3A_9, %broadcast_in_dim3A_10 : vector<1x10000xi1>, vector<1x10000xf32>
    %swap3A = arith.constant 0 : index
    %swap3A_11 = arith.constant 0 : index
    %swap3A_12 = vector.load %arg2[%swap3A, %swap3A_11] : memref<1x10000xf32, #tpu.memory_space<vmem>>, vector<1x10000xf32>
    tpu.vector_store %arg2[%swap3A, %swap3A_11], %select_n3A {strides = array<i32>} : memref<1x10000xf32, #tpu.memory_space<vmem>>, vector<1x10000xf32>,
    return
  }
}

</mosaic_0001>

<sc_bundles>
// kernel: gather_offload_async_start.1
scs
__scs_entry_jumppad:
0x0: {  	(pc) =	sbr.rel $0x88, $3  }
0x1: {  	(tag) =	ssettag $0x0;
	lr =	simm.s32 $0x1  }
0x2: {  	[smem:$0x3F8A] =	sst lr;
	_ =	strace $0xD0000000  }
0x3: {  	_ = 	snop  }
0x4: {  	_ = 	snop  }
0x5: {  	_ = 	snop  }
0x6: {  	_ = 	snop  }
0x7: {  	_ = 	snop  }
__scs_overlays_trampoline_lowered:
0x8: {  	[smem:$0x3F99] =	sst s0  }
0x9: {  	[smem:$0x3F9A] =	sst s1  }
0xa: {  	[smem:$0x3F9B] =	sst s2  }
0xb: {  	[smem:$0x3F9C] =	sst s3  }
0xc: {  	[smem:$0x3F9D] =	sst s4  }
0xd: {  	[smem:$0x3F9E] =	sst s5  }
0xe: {  	[smem:$0x3F9F] =	sst s6  }
0xf: {  	[smem:$0x3FA0] =	sst s7  }
0x10: {  	[smem:$0x3FA1] =	sst s8  }
0x11: {  	[smem:$0x3FA2] =	sst s9;
	s0 =	simm.s32 @!p0 $0x0  }
0x12: {  	s1 =	sld [smem:$0x3F88];
	s0 =	simm.s32 @p0 $0x1  }
0x13: {  	[smem:$0x3FA3] =	sst s0;
	s0 =	simm.s32 @!p1 $0x0  }
0x14: {  	s2 =	sld [smem:$0x3F87];
	s0 =	simm.s32 @p1 $0x1  }
0x15: {  	[smem:$0x3FA4] =	sst s0;
	s0 =	simm.s32 @!p2 $0x0  }
0x16: {  	s3 =	sld [smem:$0x3FDB];
	s0 =	simm.s32 @p2 $0x1  }
0x17: {  	s4 =	simm.s32 $0x1BF5;
	[smem:$0x3FA6] =	sst s0  }
0x18: {  	s0 =	sld [smem:$0x3F89];
	_ =	swait.ge [sflag:s4], $0x0  }
0x19: {  	s7 =	sld [smem:$0x3F8A]  }
0x1a: {  	s8 =	sadd.s32 $0xFFFFE003, lr  }
0x1b: {  	s9 =	sadd.s32 $0xFFFFFEF7, lr;
	s5 =	simm.s32 $0xFFFFFFFF;
	p2 =	slt.u32 s8, $0xFFFFF086  }
0x1c: {  	p1 =	slt.u32 s9, $0xF7A;
	s5 =	simm.s32 @!p2 $0x0  }
0x1d: {  	s5 =	simm.s32 @p1 $0x1;
	p0 =	seq.s32 s7, s2  }
0x1e: {  	s7 =	smul.u32 @!p0 $0xF7A, s2;
	p2 =	seq.s32 @!p0 s5, $0x0  }
0x1f: {  	s9 =	smul.u32 $0xF7A, s1;
	s8 =	simm.s32 @!p0 $0x1BF5;
	p2 =	por !p2, p0  }
0x20: {  	[sflag:s8] =	ssyncset.s32 @!p0 $0xFFFFF086;
	s6 =	sadd.s32 @!p0 s3, s7;
	s7 =	simm.s32 @!p0 $0x108  }
0x21: {  	s3 =	sadd.s32 s3, s9;
	s6 =	sadd.s32 @!p0 $0x88, s6;
	s7 =	simm.s32 @p2 $0x1082  }
0x22: {  	[simem:s7], [sflag:s8] =	dma.local @!p0 [hbm:s6], $0xF7A  }
0x23: {  	s9 =	sor.u32 $0xD0000000, s2;
	s6 =	simm.s32 $0x108;
	_ =	swait.ge @!p0 [sflag:s8], $0x0  }
0x24: {  	s3 =	sadd.s32 $0x88, s3;
	s6 =	simm.s32 @!p1 $0x1082;
	[sflag:s4] =	ssyncset.s32 $0xFFFFF086  }
0x25: {  	[simem:s6], [sflag:s4] =	dma.local [hbm:s3], $0xF7A  }
0x26: {  	[smem:$0x3F8A] =	sst s1;
	(tag) =	ssettag s2;
	_ =	strace s9  }
0x27: {  	s1 =	sld [smem:$0x3F9A]  }
0x28: {  	s2 =	sld [smem:$0x3F9B]  }
0x29: {  	s4 =	sld [smem:$0x3F9D]  }
0x2a: {  	p0 =	seq.s32 s5, $0x0;
	s5 =	sld [smem:$0x3F9E]  }
0x2b: {  	s6 =	sld [smem:$0x3F9F]  }
0x2c: {  	s7 =	sld [smem:$0x3FA0]  }
0x2d: {  	s3 =	simm.s32 $0x108;
	s8 =	sld [smem:$0x3FA1]  }
0x2e: {  	s3 =	simm.s32 @!p0 $0x1082;
	s9 =	sld [smem:$0x3FA2]  }
0x2f: {  	lr =	sadd.s32 s0, s3;
	s0 =	sld [smem:$0x3F99]  }
0x30: {  	s3 =	sld [smem:$0x3F9C]  }
0x31: {  	[smem:$0x3FA5] =	sst s10  }
0x32: {  	s10 =	sld [smem:$0x3FA3];
	_ =	sdelay $0x3  }
0x33: {  	p0 =	seq.s32 s10, $0x1;
	s10 =	sld [smem:$0x3FA5];
	_ =	sdelay $0x3  }
0x34: {  	[smem:$0x3FA5] =	sst s10  }
0x35: {  	s10 =	sld [smem:$0x3FA4];
	_ =	sdelay $0x3  }
0x36: {  	p1 =	seq.s32 s10, $0x1;
	s10 =	sld [smem:$0x3FA5];
	_ =	sdelay $0x3  }
0x37: {  	[smem:$0x3FA5] =	sst s10  }
0x38: {  	s10 =	sld [smem:$0x3FA6]  }
0x39: {  	_ = 	snop;
	(pc) =	sbr.ind lr, $3  }
0x3a: {  	_ = 	snop  }
0x3b: {  	_ = 	snop  }
0x3c: {  	p2 =	seq.s32 s10, $0x1;
	s10 =	sld [smem:$0x3FA5]  }
0x3d: {  	_ =	shalt  }
0x3e: {  	_ =	shalt  }
0x3f: {  	_ =	shalt  }
0x40: {  	_ =	shalt  }
0x41: {  	_ =	shalt  }
0x42: {  	_ =	shalt  }
0x43: {  	_ =	shalt  }
0x44: {  	_ =	shalt  }
0x45: {  	_ =	shalt  }
0x46: {  	_ =	shalt  }
0x47: {  	_ =	shalt  }
0x48: {  	_ =	shalt  }
0x49: {  	_ =	shalt  }
0x4a: {  	_ =	shalt  }
0x4b: {  	_ =	shalt  }
0x4c: {  	_ =	shalt  }
0x4d: {  	_ =	shalt  }
0x4e: {  	_ =	shalt  }
0x4f: {  	_ =	shalt  }
0x50: {  	_ =	shalt  }
0x51: {  	_ =	shalt  }
0x52: {  	_ =	shalt  }
0x53: {  	_ =	shalt  }
0x54: {  	_ =	shalt  }
0x55: {  	_ =	shalt  }
0x56: {  	_ =	shalt  }
0x57: {  	_ =	shalt  }
0x58: {  	_ =	shalt  }
0x59: {  	_ =	shalt  }
0x5a: {  	_ =	shalt  }
0x5b: {  	_ =	shalt  }
0x5c: {  	_ =	shalt  }
0x5d: {  	_ =	shalt  }
0x5e: {  	_ =	shalt  }
0x5f: {  	_ =	shalt  }
0x60: {  	_ =	shalt  }
0x61: {  	_ =	shalt  }
0x62: {  	_ =	shalt  }
0x63: {  	_ =	shalt  }
0x64: {  	_ =	shalt  }
0x65: {  	_ =	shalt  }
0x66: {  	_ =	shalt  }
0x67: {  	_ =	shalt  }
0x68: {  	_ =	shalt  }
0x69: {  	_ =	shalt  }
0x6a: {  	_ =	shalt  }
0x6b: {  	_ =	shalt  }
0x6c: {  	_ =	shalt  }
0x6d: {  	_ =	shalt  }
0x6e: {  	_ =	shalt  }
0x6f: {  	_ =	shalt  }
0x70: {  	_ =	shalt  }
0x71: {  	_ =	shalt  }
0x72: {  	_ =	shalt  }
0x73: {  	_ =	shalt  }
0x74: {  	_ =	shalt  }
0x75: {  	_ =	shalt  }
0x76: {  	_ =	shalt  }
0x77: {  	_ =	shalt  }
0x78: {  	_ =	shalt  }
0x79: {  	_ =	shalt  }
0x7a: {  	_ =	shalt  }
0x7b: {  	_ =	shalt  }
0x7c: {  	_ =	shalt  }
0x7d: {  	_ =	shalt  }
0x7e: {  	_ =	shalt  }
0x7f: {  	_ =	shalt  }
0x80: {  	_ =	shalt  }
0x81: {  	_ =	shalt  }
0x82: {  	_ =	shalt  }
0x83: {  	_ =	shalt  }
0x84: {  	_ =	shalt  }
0x85: {  	_ =	shalt  }
0x86: {  	_ =	shalt  }
0x87: {  	_ =	shalt  }
.Lfunc_end0:
.L_simem_size_0:
called_computation.1_lowered:
.L_overlay_start_0:
0x88: {  	s2 =	sld [smem:$0x3FD9]  }
0x89: {  	s3 =	sld [smem:$0x3FFE];
	_ =	sdelay $0x1  }
0x8a: {  	s1 =	srdreg.scid  }
0x8b: {  	s0 =	sand.u32 $0x1, s1  }
0x8c: {  	s17 =	sshll.u32 s0, $0xA;
	s2 =	sadd.s32 s3, s2  }
0x8d: {  	s2 =	sadd.s32 s2, s17  }
0x8e: {  	[smem:$0x3FB1] =	sst s2  }
0x8f: {  	_ = 	snop  }
0x90: {  	s2 =	sld [smem:$0x3FD0];
	(tm) =	ssettm $0x1  }
0x91: {  	s18 =	sld [smem:$0x3FFB];
	_ =	sdelay $0x3  }
0x92: {  	_ =	strace s18  }
0x93: {  	s3 =	sld [smem:$0x3FFC];
	_ =	sdelay $0x3  }
0x94: {  	_ =	strace s3  }
0x95: {  	s3 =	sld [smem:$0x3FFD];
	_ =	sdelay $0x3  }
0x96: {  	_ =	strace s3  }
0x97: {  	_ =	strace $0x8FFFFFFF  }
0x98: {  	s19 =	sld [smem:$0x3FDB];
	_ =	sdelay $0x1  }
0x99: {  	s4 =	simm.s32 $_scs_section_size  }
0x9a: {  	s5 =	simm.s32 $_size__tile_overlayer_lowered;
	s6 =	simm.s32 $_tile_overlayer_lowered  }
0x9b: {  	s22 =	simm.s32 $0x1BFF;
	s21 =	sshll.u32 s6, $0x1;
	s3 =	sadd.s32 s4, s19  }
0x9c: {  	s7 =	simm.s32 $0x0;
	s20 =	sshll.u32 s5, $0x1;
	s5 =	sadd.s32 s21, s3  }
0x9d: {  	[timem:s7], [sflag:s22] =	dma.local [hbm:s5], s20  }
0x9e: {  	_ =	swait.ge [sflag:s22], s20  }
0x9f: {  	s4 =	ssub.s32 $0x0, s20;
	[sflag:s22] =	ssyncset.done $0x0  }
0xa0: {  	[sflag:s22] =	ssyncadd.s32 s4;
	_ =	sdelay $0x1  }
0xa1: {  	s23 =	simm.s32 $0x1B8B  }
0xa2: {  	_ =	swait.ge [sflag:s23], $0x1  }
0xa3: {  	[sflag:s23] =	ssyncset.done $0x0  }
0xa4: {  	s25 =	simm.s32 $0x1B8E;
	s24 =	sld [smem:$0x3FFE];
	[sflag:s23] =	ssyncadd.s32 $0xFFFFFFFF  }
0xa5: {  	s26 =	simm.s32 $execute0_lowered;
	[smem:$0x3FD2] =	sst s25  }
0xa6: {  	s5 =	sshll.u32 s26, $0x1;
	_ =	strace $0x80000049;
	[dreg:$0x1] =	wrdreg $0xFFFFFFFF  }
0xa7: {  	s28 =	simm.s32 $_size_execute0_lowered;
	s3 =	sadd.s32 s3, s5;
	[dreg:$0x0] =	wrdreg $0x0  }
0xa8: {  	s5 =	sshll.u32 s28, $0x1;
	[dreg:$0x2] =	wrdreg s3  }
0xa9: {  	[dreg:$0x3] =	wrdreg s5  }
0xaa: {  	[dreg:$0x4] =	wrdreg $0xC0  }
0xab: {  	_ =	task [dreg:s7], $0x5FFFF  }
0xac: {  	[dreg:$0x1] =	wrdreg $0xFFFFFFFF  }
0xad: {  	[dreg:$0x0] =	wrdreg $0x60  }
0xae: {  	[dreg:$0x2] =	wrdreg s24  }
0xaf: {  	[dreg:$0x3] =	wrdreg s2  }
0xb0: {  	[dreg:$0x4] =	wrdreg $0x9  }
0xb1: {  	_ =	task.clear_ibuf [dreg:s7], $0x5FFFF;
	_ =	strace $0x90000049  }
0xb2: {  	s29 =	simm.s32 $0x9;
	_ =	strace $0x8000004B  }
0xb3: {  	_ =	swait.ge [sflag:s29], $0x1  }
0xb4: {  	[sflag:s29] =	ssyncadd.s32 $0xFFFFFFFF  }
0xb5: {  	_ =	strace $0x9000004B  }
0xb6: {  	_ =	sfence  }
0xb7: {  	s30 =	sld [smem:$0x0];
	_ =	sdelay $0x2  }
0xb8: {  	s31 =	sshll.u32 s1, $0xD;
	s1 =	sshrl.u32 s1, $0x2  }
0xb9: {  	s3 =	sand.u32 $0x4000, s31;
	s1 =	sadd.s32 s1, s30  }
0xba: {  	s0 =	sor.u32 s3, s0;
	s1 =	sshll.u32 s1, $0x11  }
0xbb: {  	s0 =	sor.u32 s1, s0  }
0xbc: {  	s0 =	sadd.s32 $0x8F2B, s0  }
0xbd: {  	[sflag:s0] =	ssyncadd.remote.s32 $0x1  }
0xbe: {  	_ =	sfence.sel $0xFFFF  }
0xbf: {  	[dreg:$0x0] =	wrdreg $0xFFFFFFFF;
	(pc) =	sbr.abs _section_cstart, $3  }
0xc0: {  	[dreg:$0x1] =	wrdreg $0xFFFFFFFF  }
0xc1: {  	_ =	task.clear_ibuf [dreg:s7], $0x2FFFF;
	_ =	strace $0x9FFFFFFF  }
0xc2: {  	(tm) =	ssettm $0x7FFFFFFF  }
0xc3: {  	_ =	shalt  }
tec
execute0_lowered:
.L_overlay_start_1:
0x0: {  	(tag) =	ssettag $0x1  }
0x1: {  	s7 =	rddreg [dreg:$0x0]  }
0x2: {  	s2 =	rddreg [dreg:$0x1]  }
0x3: {  	s0 =	rddreg [dreg:$0x2]  }
0x4: {  	s1 =	srdreg.scid;
	_ =	strace $0x8000004A;
	s4 =	simm.s32 $0x1  }
0x5: {  	s9 =	simm.s32 $0x3;
	s12 =	simm.s32 $0x0;
	s5 =	sshll.u32 s1, $0x4  }
.Ltmp0:
0x6: {  	s1 =	stileid.u32;
	s5 =	sand.u32 $0x10, s5;
	(pc) =	sbr.rel .LBB2_1-.Ltmp0, $4  }
0x7: {  	s10 =	simm.s32 $0x0;
	s3 =	sadd.s32 $0x8400, s7;
	s6 =	sor.u32 s1, s5  }
0x8: {  	[sflag:s4] =	ssyncpa.u1 $0x0;
	s5 =	simm.s32 $0x2;
	s6 =	sshll.u32 s6, $0x6  }
0x9: {  	s7 =	sadd.s32 $0x10400, s7;
	[sflag:s5] =	ssyncpa.u1 $0x0;
	s8 =	sadd.s32 $0x40, s6  }
0xa: {  	vm0 =	vmmov $0xff;
	vm1 =	vcmask $0x3F20;
	[sflag:s9] =	ssyncpa.u1 $0x0;
	s9 =	simm.s32 $0x40;
	s11 =	smov.u32 s6  }
.LBB2_9:
0xb: {  	p0 =	seq.s32 s10, $0x2  }
.Ltmp1:
0xc: {  	_ = 	snop;
	(pc) =	sbr.rel @p0 .LBB2_11-.Ltmp1, $1  }
0xd: {  	_ =	sdelay $0x3  }
.LBB2_10:
0xe: {  	s12 =	sadd.s32 $0x40, s11  }
0xf: {  	s13 =	smov.u32 s6;
	p0 =	slt.s32 s12, s8  }
0x10: {  	s13 =	smov.u32 @p0 s12  }
0x11: {  	s10 =	sadd.s32 $0x1, s10;
	s12 =	smov.u32 s11;
	s11 =	smov.u32 s13  }
.LBB2_1:
0x12: {  	p0 =	sne.s32 s10, $0x0  }
.Ltmp2:
0x13: {  	_ = 	snop;
	(pc) =	sbr.rel @!p0 .LBB2_2-.Ltmp2, $1  }
0x14: {  	_ =	sdelay $0x3  }
0x15: {  	s13 =	sand.u32 $0x1, s10  }
0x16: {  	p0 =	seq.s32 s13, $0x0  }
.Ltmp3:
0x17: {  	_ = 	snop;
	(pc) =	sbr.rel @p0 .LBB2_9-.Ltmp3, $1  }
0x18: {  	_ =	sdelay $0x3  }
0x19: {  	_ =	swait.ge [sflag:s5], $0x40  }
0x1a: {  	[sflag:s5] =	ssyncset.done $0x0  }
0x1b: {  	s13 =	simm.s32 $0x0;
	[sflag:s5] =	ssyncadd.s32 $0xFFFFFFC0  }
0x1c: {  	v0 =	vld.msk [tilespmem:s13+$0x40 ss:$0x1], $0xffff;
	_ =	sdelay $0x4  }
0x1d: {  	vm2 =	vgt.s32 v0, $0x0  }
0x1e: {  	v0 =	vnsel vm2, $0x0, v0  }
0x1f: {  	v0 =	vmin.u32 v0, $0x7FF  }
0x20: {  	v0 =	vshll.u32 v0, $0x4;
	_ =	sdelay $0x3  }
0x21: {  	s13 =	simm.s32 $0x2080  }
0x22: {  	[tilespmem:s13], [sflag:$0x1] =	stream.indirect_vreg.gather [hbm:s3], $0x80, v0, vm0, $0x38;
	[tilespmem:$0x4080] =	vst v63  }
0x23: {  	s14 =	simm.s32 $0x2480;
	s31 =	simm.s32 $0x10  }
0x24: {  	[tilespmem:s14], [sflag:$0x1] =	stream.indirect_vreg.gather [hbm:s3], $0x80, v0, vm1, $0x38;
	[tilespmem:$0x4080] =	vst v63  }
0x25: {  	s14 =	simm.s32 $0x80;
	v0 =	vld.msk [tilespmem:s31+$0x40 ss:$0x1], $0xffff  }
.LBB2_5:
0x26: {  	p0 =	sne.s32 s14, $0xC0;
	_ =	sdelay $0x4  }
0x27: {  	vm2 =	vgt.s32 v0, $0x0  }
0x28: {  	v0 =	vnsel vm2, $0x0, v0  }
0x29: {  	v0 =	vmin.u32 v0, $0x7FF  }
0x2a: {  	v0 =	vshll.u32 v0, $0x4;
	_ =	sdelay $0x3  }
.Ltmp4:
0x2b: {  	s13 =	sadd.s32 $0x800, s13;
	(pc) =	sbr.rel @p0 .LBB2_5-.Ltmp4, $4  }
0x2c: {  	[tilespmem:s13], [sflag:$0x1] =	stream.indirect_vreg.gather [hbm:s3], $0x80, v0, vm0, $0x38;
	[tilespmem:$0x4080] =	vst v63  }
0x2d: {  	s15 =	sshra.s32 s14, $0x2;
	s16 =	sadd.s32 $0x400, s13  }
0x2e: {  	[tilespmem:s16], [sflag:$0x1] =	stream.indirect_vreg.gather [hbm:s3], $0x80, v0, vm1, $0x38;
	[tilespmem:$0x4080] =	vst v63  }
0x2f: {  	s14 =	sadd.s32 $0x40, s14;
	v0 =	vld.msk [tilespmem:s15+$0x40 ss:$0x1], $0xffff  }
0x30: {  	_ =	sdelay $0x3  }
0x31: {  	vm2 =	vgt.s32 v0, $0x0  }
0x32: {  	v0 =	vnsel vm2, $0x0, v0  }
0x33: {  	v0 =	vmin.u32 v0, $0x7FF  }
0x34: {  	v0 =	vshll.u32 v0, $0x4;
	_ =	sdelay $0x3  }
0x35: {  	s13 =	sadd.s32 $0x800, s13  }
0x36: {  	[tilespmem:s13], [sflag:$0x1] =	stream.indirect_vreg.gather [hbm:s3], $0x80, v0, vm0, $0x38;
	[tilespmem:$0x4080] =	vst v63  }
0x37: {  	s13 =	sadd.s32 $0x400, s13  }
0x38: {  	[tilespmem:s13], [sflag:$0x1] =	stream.indirect_vreg.gather [hbm:s3], $0x80, v0, vm1, $0x38;
	[tilespmem:$0x4080] =	vst v63  }
0x39: {  	s12 =	sshll.u32 s12, $0x4;
	s14 =	simm.s32 $0x80;
	_ =	swait.ge [sflag:s4], $0x2000  }
0x3a: {  	s15 =	simm.s32 $0x2480;
	s12 =	sadd.s32 s12, s7;
	[sflag:s4] =	ssyncset.done $0x0  }
0x3b: {  	s16 =	sadd.s32 $0x0, s12;
	s13 =	simm.s32 $0x2080;
	[sflag:s4] =	ssyncadd.s32 $0xFFFFE000  }
.LBB2_7:
0x3c: {  	[hbm:s16] =	stream.linear.scatter [tilespmem:s13], [sflag:$0x3], $0x400, $0x38;
	[tilespmem:$0x4080] =	vst v63  }
0x3d: {  	s16 =	smov.u32 s14;
	s13 =	smov.u32 s15;
	p0 =	sne.s32 s14, $0x380  }
.Ltmp5:
0x3e: {  	s14 =	sadd.s32 $0x80, s14;
	(pc) =	sbr.rel @p0 .LBB2_7-.Ltmp5, $2  }
0x3f: {  	_ =	sdelay $0x2  }
0x40: {  	s15 =	sadd.s32 $0x400, s15;
	s16 =	sadd.s32 s16, s12  }
.Ltmp6:
0x41: {  	(pc) =	sbr.rel .LBB2_9-.Ltmp6, $2  }
0x42: {  	_ =	sdelay $0x2  }
0x43: {  	[hbm:s16] =	stream.linear.scatter [tilespmem:s13], [sflag:$0x3], $0x400, $0x38;
	[tilespmem:$0x4080] =	vst v63  }
.LBB2_2:
.Ltmp7:
0x44: {  	(pc) =	sbr.rel .LBB2_10-.Ltmp7, $4  }
0x45: {  	_ = 	snop  }
0x46: {  	s12 =	sshrl.u32 s11, $0x3  }
0x47: {  	s13 =	sand.u32 $0x7, s11;
	s12 =	sadd.s32 s2, s12  }
0x48: {  	[tilespmem:s9], [sflag:$0x2] =	stream.linear.gather [hbm4b:s12+s13], $0x40, $0x38;
	[tilespmem:$0x4080] =	vst v63  }
.LBB2_11:
0x49: {  	s2 =	simm.s32 $0x3  }
0x4a: {  	_ =	swait.ge [sflag:s2], $0x2000  }
0x4b: {  	[sflag:s2] =	ssyncset.done $0x0  }
0x4c: {  	[sflag:s2] =	ssyncadd.s32 $0xFFFFE000  }
0x4d: {  	_ =	sfence.sel $0x180000  }
0x4e: {  	s3 =	simm.s32 $0x2;
	[bflag:$0x0] =	sbarrier.arrive $0xFFFF  }
0x4f: {  	[sflag:s3] =	ssyncpa.u1 $0x1  }
0x50: {  	s31 =	simm.s32 $0x1;
	[sflag:s2] =	ssyncpa.u1 $0x1  }
0x51: {  	[sflag:s31] =	ssyncpa.u1 $0x1  }
0x52: {  	p0 =	sne.s32 s1, $0x0;
	_ =	strace $0x9000004A  }
0x53: {  	s0 =	sadd.s32 @!p0 $0x100000, s0;
	[bflag:$0x2] =	sbarrier.arrive $0xFFFF  }
0x54: {  	[sflag:s0] =	ssyncadd.tile.s32 @!p0 $0x1;
	_ =	shalt  }
.Lfunc_end2:
_tile_overlayer_lowered:
.L_overlay_start_2:
0x55: {  	(tag) =	ssettag $0x2  }
0x56: {  	s0 =	rddreg [dreg:$0x0];
	s2 =	stileid.u32  }
0x57: {  	s1 =	rddreg [dreg:$0x1];
	p0 =	sne.s32 s2, $0x0  }
0x58: {  	s3 =	rddreg [dreg:$0x2];
	[bflag:$0x3] =	sbarrier.arrive $0xFFFF;
	s2 =	simm.s32 @!p0 $0x1C01  }
0x59: {  	[timem:s3], [sflag:s2] =	dma.local @!p0 [hbm:s0], s1  }
0x5a: {  	s0 =	simm.s32 @!p0 $0x1  }
0x5b: {  	_ =	swait.ge @!p0 [sflag:s0], s1  }
0x5c: {  	s1 =	ssub.s32 @!p0 $0x0, s1;
	[sflag:s0] =	ssyncset.done @!p0 $0x0  }
0x5d: {  	[sflag:s0] =	ssyncadd.s32 @!p0 s1  }
0x5e: {  	[bflag:$0x3] =	sbarrier.arrive $0xFFFF  }
0x5f: {  	_ =	shalt  }

// kernel: gather_offload_async_start
scs
__scs_entry_jumppad:
0x0: {  	(pc) =	sbr.rel $0x88, $3  }
0x1: {  	(tag) =	ssettag $0x0;
	lr =	simm.s32 $0x1  }
0x2: {  	[smem:$0x3F8A] =	sst lr;
	_ =	strace $0xD0000000  }
0x3: {  	_ = 	snop  }
0x4: {  	_ = 	snop  }
0x5: {  	_ = 	snop  }
0x6: {  	_ = 	snop  }
0x7: {  	_ = 	snop  }
__scs_overlays_trampoline_lowered:
0x8: {  	[smem:$0x3F99] =	sst s0  }
0x9: {  	[smem:$0x3F9A] =	sst s1  }
0xa: {  	[smem:$0x3F9B] =	sst s2  }
0xb: {  	[smem:$0x3F9C] =	sst s3  }
0xc: {  	[smem:$0x3F9D] =	sst s4  }
0xd: {  	[smem:$0x3F9E] =	sst s5  }
0xe: {  	[smem:$0x3F9F] =	sst s6  }
0xf: {  	[smem:$0x3FA0] =	sst s7  }
0x10: {  	[smem:$0x3FA1] =	sst s8  }
0x11: {  	[smem:$0x3FA2] =	sst s9;
	s0 =	simm.s32 @!p0 $0x0  }
0x12: {  	s1 =	sld [smem:$0x3F88];
	s0 =	simm.s32 @p0 $0x1  }
0x13: {  	[smem:$0x3FA3] =	sst s0;
	s0 =	simm.s32 @!p1 $0x0  }
0x14: {  	s2 =	sld [smem:$0x3F87];
	s0 =	simm.s32 @p1 $0x1  }
0x15: {  	[smem:$0x3FA4] =	sst s0;
	s0 =	simm.s32 @!p2 $0x0  }
0x16: {  	s3 =	sld [smem:$0x3FDB];
	s0 =	simm.s32 @p2 $0x1  }
0x17: {  	s4 =	simm.s32 $0x1BF5;
	[smem:$0x3FA6] =	sst s0  }
0x18: {  	s0 =	sld [smem:$0x3F89];
	_ =	swait.ge [sflag:s4], $0x0  }
0x19: {  	s7 =	sld [smem:$0x3F8A]  }
0x1a: {  	s8 =	sadd.s32 $0xFFFFE003, lr  }
0x1b: {  	s9 =	sadd.s32 $0xFFFFFEF7, lr;
	s5 =	simm.s32 $0xFFFFFFFF;
	p2 =	slt.u32 s8, $0xFFFFF086  }
0x1c: {  	p1 =	slt.u32 s9, $0xF7A;
	s5 =	simm.s32 @!p2 $0x0  }
0x1d: {  	s5 =	simm.s32 @p1 $0x1;
	p0 =	seq.s32 s7, s2  }
0x1e: {  	s7 =	smul.u32 @!p0 $0xF7A, s2;
	p2 =	seq.s32 @!p0 s5, $0x0  }
0x1f: {  	s9 =	smul.u32 $0xF7A, s1;
	s8 =	simm.s32 @!p0 $0x1BF5;
	p2 =	por !p2, p0  }
0x20: {  	[sflag:s8] =	ssyncset.s32 @!p0 $0xFFFFF086;
	s6 =	sadd.s32 @!p0 s3, s7;
	s7 =	simm.s32 @!p0 $0x108  }
0x21: {  	s3 =	sadd.s32 s3, s9;
	s6 =	sadd.s32 @!p0 $0x88, s6;
	s7 =	simm.s32 @p2 $0x1082  }
0x22: {  	[simem:s7], [sflag:s8] =	dma.local @!p0 [hbm:s6], $0xF7A  }
0x23: {  	s9 =	sor.u32 $0xD0000000, s2;
	s6 =	simm.s32 $0x108;
	_ =	swait.ge @!p0 [sflag:s8], $0x0  }
0x24: {  	s3 =	sadd.s32 $0x88, s3;
	s6 =	simm.s32 @!p1 $0x1082;
	[sflag:s4] =	ssyncset.s32 $0xFFFFF086  }
0x25: {  	[simem:s6], [sflag:s4] =	dma.local [hbm:s3], $0xF7A  }
0x26: {  	[smem:$0x3F8A] =	sst s1;
	(tag) =	ssettag s2;
	_ =	strace s9  }
0x27: {  	s1 =	sld [smem:$0x3F9A]  }
0x28: {  	s2 =	sld [smem:$0x3F9B]  }
0x29: {  	s4 =	sld [smem:$0x3F9D]  }
0x2a: {  	p0 =	seq.s32 s5, $0x0;
	s5 =	sld [smem:$0x3F9E]  }
0x2b: {  	s6 =	sld [smem:$0x3F9F]  }
0x2c: {  	s7 =	sld [smem:$0x3FA0]  }
0x2d: {  	s3 =	simm.s32 $0x108;
	s8 =	sld [smem:$0x3FA1]  }
0x2e: {  	s3 =	simm.s32 @!p0 $0x1082;
	s9 =	sld [smem:$0x3FA2]  }
0x2f: {  	lr =	sadd.s32 s0, s3;
	s0 =	sld [smem:$0x3F99]  }
0x30: {  	s3 =	sld [smem:$0x3F9C]  }
0x31: {  	[smem:$0x3FA5] =	sst s10  }
0x32: {  	s10 =	sld [smem:$0x3FA3];
	_ =	sdelay $0x3  }
0x33: {  	p0 =	seq.s32 s10, $0x1;
	s10 =	sld [smem:$0x3FA5];
	_ =	sdelay $0x3  }
0x34: {  	[smem:$0x3FA5] =	sst s10  }
0x35: {  	s10 =	sld [smem:$0x3FA4];
	_ =	sdelay $0x3  }
0x36: {  	p1 =	seq.s32 s10, $0x1;
	s10 =	sld [smem:$0x3FA5];
	_ =	sdelay $0x3  }
0x37: {  	[smem:$0x3FA5] =	sst s10  }
0x38: {  	s10 =	sld [smem:$0x3FA6]  }
0x39: {  	_ = 	snop;
	(pc) =	sbr.ind lr, $3  }
0x3a: {  	_ = 	snop  }
0x3b: {  	_ = 	snop  }
0x3c: {  	p2 =	seq.s32 s10, $0x1;
	s10 =	sld [smem:$0x3FA5]  }
0x3d: {  	_ =	shalt  }
0x3e: {  	_ =	shalt  }
0x3f: {  	_ =	shalt  }
0x40: {  	_ =	shalt  }
0x41: {  	_ =	shalt  }
0x42: {  	_ =	shalt  }
0x43: {  	_ =	shalt  }
0x44: {  	_ =	shalt  }
0x45: {  	_ =	shalt  }
0x46: {  	_ =	shalt  }
0x47: {  	_ =	shalt  }
0x48: {  	_ =	shalt  }
0x49: {  	_ =	shalt  }
0x4a: {  	_ =	shalt  }
0x4b: {  	_ =	shalt  }
0x4c: {  	_ =	shalt  }
0x4d: {  	_ =	shalt  }
0x4e: {  	_ =	shalt  }
0x4f: {  	_ =	shalt  }
0x50: {  	_ =	shalt  }
0x51: {  	_ =	shalt  }
0x52: {  	_ =	shalt  }
0x53: {  	_ =	shalt  }
0x54: {  	_ =	shalt  }
0x55: {  	_ =	shalt  }
0x56: {  	_ =	shalt  }
0x57: {  	_ =	shalt  }
0x58: {  	_ =	shalt  }
0x59: {  	_ =	shalt  }
0x5a: {  	_ =	shalt  }
0x5b: {  	_ =	shalt  }
0x5c: {  	_ =	shalt  }
0x5d: {  	_ =	shalt  }
0x5e: {  	_ =	shalt  }
0x5f: {  	_ =	shalt  }
0x60: {  	_ =	shalt  }
0x61: {  	_ =	shalt  }
0x62: {  	_ =	shalt  }
0x63: {  	_ =	shalt  }
0x64: {  	_ =	shalt  }
0x65: {  	_ =	shalt  }
0x66: {  	_ =	shalt  }
0x67: {  	_ =	shalt  }
0x68: {  	_ =	shalt  }
0x69: {  	_ =	shalt  }
0x6a: {  	_ =	shalt  }
0x6b: {  	_ =	shalt  }
0x6c: {  	_ =	shalt  }
0x6d: {  	_ =	shalt  }
0x6e: {  	_ =	shalt  }
0x6f: {  	_ =	shalt  }
0x70: {  	_ =	shalt  }
0x71: {  	_ =	shalt  }
0x72: {  	_ =	shalt  }
0x73: {  	_ =	shalt  }
0x74: {  	_ =	shalt  }
0x75: {  	_ =	shalt  }
0x76: {  	_ =	shalt  }
0x77: {  	_ =	shalt  }
0x78: {  	_ =	shalt  }
0x79: {  	_ =	shalt  }
0x7a: {  	_ =	shalt  }
0x7b: {  	_ =	shalt  }
0x7c: {  	_ =	shalt  }
0x7d: {  	_ =	shalt  }
0x7e: {  	_ =	shalt  }
0x7f: {  	_ =	shalt  }
0x80: {  	_ =	shalt  }
0x81: {  	_ =	shalt  }
0x82: {  	_ =	shalt  }
0x83: {  	_ =	shalt  }
0x84: {  	_ =	shalt  }
0x85: {  	_ =	shalt  }
0x86: {  	_ =	shalt  }
0x87: {  	_ =	shalt  }
.Lfunc_end0:
.L_simem_size_0:
called_computation_lowered:
.L_overlay_start_0:
0x88: {  	s2 =	sld [smem:$0x3FD9]  }
0x89: {  	s3 =	sld [smem:$0x3FFE];
	_ =	sdelay $0x1  }
0x8a: {  	s1 =	srdreg.scid  }
0x8b: {  	s0 =	sand.u32 $0x1, s1  }
0x8c: {  	s16 =	sshll.u32 s0, $0xA;
	s2 =	sadd.s32 s3, s2  }
0x8d: {  	s2 =	sadd.s32 s2, s16  }
0x8e: {  	[smem:$0x3FB1] =	sst s2  }
0x8f: {  	_ = 	snop  }
0x90: {  	(tm) =	ssettm $0x1  }
0x91: {  	s17 =	sld [smem:$0x3FFB];
	_ =	sdelay $0x3  }
0x92: {  	_ =	strace s17  }
0x93: {  	s2 =	sld [smem:$0x3FFC];
	_ =	sdelay $0x3  }
0x94: {  	_ =	strace s2  }
0x95: {  	s2 =	sld [smem:$0x3FFD];
	_ =	sdelay $0x3  }
0x96: {  	_ =	strace s2  }
0x97: {  	_ =	strace $0x8FFFFFFF  }
0x98: {  	s18 =	sld [smem:$0x3FDB];
	_ =	sdelay $0x1  }
0x99: {  	s19 =	simm.s32 $_scs_section_size  }
0x9a: {  	s4 =	simm.s32 $_size__tile_overlayer_lowered;
	s5 =	simm.s32 $_tile_overlayer_lowered  }
0x9b: {  	s22 =	simm.s32 $0x1BFF;
	s21 =	sshll.u32 s5, $0x1;
	s2 =	sadd.s32 s19, s18  }
0x9c: {  	s6 =	simm.s32 $0x0;
	s20 =	sshll.u32 s4, $0x1;
	s4 =	sadd.s32 s21, s2  }
0x9d: {  	[timem:s6], [sflag:s22] =	dma.local [hbm:s4], s20  }
0x9e: {  	_ =	swait.ge [sflag:s22], s20  }
0x9f: {  	s3 =	ssub.s32 $0x0, s20;
	[sflag:s22] =	ssyncset.done $0x0  }
0xa0: {  	[sflag:s22] =	ssyncadd.s32 s3;
	_ =	sdelay $0x1  }
0xa1: {  	s23 =	simm.s32 $0x1B8B  }
0xa2: {  	_ =	swait.ge [sflag:s23], $0x1  }
0xa3: {  	[sflag:s23] =	ssyncset.done $0x0  }
0xa4: {  	s25 =	simm.s32 $0x1B8E;
	s24 =	sld [smem:$0x3FFE];
	[sflag:s23] =	ssyncadd.s32 $0xFFFFFFFF  }
0xa5: {  	s26 =	simm.s32 $execute0_lowered;
	[smem:$0x3FD2] =	sst s25  }
0xa6: {  	s4 =	sshll.u32 s26, $0x1;
	_ =	strace $0x80000046;
	[dreg:$0x1] =	wrdreg $0xFFFFFFFF  }
0xa7: {  	s28 =	simm.s32 $_size_execute0_lowered;
	s2 =	sadd.s32 s2, s4;
	[dreg:$0x0] =	wrdreg $0x0  }
0xa8: {  	s4 =	sshll.u32 s28, $0x1;
	[dreg:$0x2] =	wrdreg s2  }
0xa9: {  	[dreg:$0x3] =	wrdreg s4  }
0xaa: {  	[dreg:$0x4] =	wrdreg $0xC0  }
0xab: {  	_ =	task [dreg:s6], $0x5FFFF  }
0xac: {  	[dreg:$0x1] =	wrdreg $0xFFFFFFFF  }
0xad: {  	[dreg:$0x0] =	wrdreg $0x60  }
0xae: {  	[dreg:$0x2] =	wrdreg s24  }
0xaf: {  	[dreg:$0x3] =	wrdreg $0x9  }
0xb0: {  	_ =	task.clear_ibuf [dreg:s6], $0x4FFFF;
	_ =	strace $0x90000046  }
0xb1: {  	s29 =	simm.s32 $0x9;
	_ =	strace $0x80000048  }
0xb2: {  	_ =	swait.ge [sflag:s29], $0x1  }
0xb3: {  	[sflag:s29] =	ssyncadd.s32 $0xFFFFFFFF  }
0xb4: {  	_ =	strace $0x90000048  }
0xb5: {  	_ =	sfence  }
0xb6: {  	s30 =	sld [smem:$0x0];
	_ =	sdelay $0x2  }
0xb7: {  	s31 =	sshll.u32 s1, $0xD;
	s1 =	sshrl.u32 s1, $0x2  }
0xb8: {  	s3 =	sand.u32 $0x4000, s31;
	s1 =	sadd.s32 s1, s30  }
0xb9: {  	s0 =	sor.u32 s3, s0;
	s1 =	sshll.u32 s1, $0x11  }
0xba: {  	s0 =	sor.u32 s1, s0  }
0xbb: {  	s0 =	sadd.s32 $0x8F2B, s0  }
0xbc: {  	[sflag:s0] =	ssyncadd.remote.s32 $0x1  }
0xbd: {  	_ =	sfence.sel $0xFFFF  }
0xbe: {  	[dreg:$0x0] =	wrdreg $0xFFFFFFFF;
	(pc) =	sbr.abs _section_cstart, $3  }
0xbf: {  	[dreg:$0x1] =	wrdreg $0xFFFFFFFF  }
0xc0: {  	_ =	task.clear_ibuf [dreg:s6], $0x2FFFF;
	_ =	strace $0x9FFFFFFF  }
0xc1: {  	(tm) =	ssettm $0x7FFFFFFF  }
tec
execute0_lowered:
.L_overlay_start_1:
0x0: {  	(tag) =	ssettag $0x1  }
0x1: {  	s1 =	srdreg.scid  }
0x2: {  	s0 =	stileid.u32;
	s2 =	rddreg [dreg:$0x0]  }
0x3: {  	s5 =	simm.s32 $0x1;
	s8 =	simm.s32 $0x1;
	s1 =	sshll.u32 s1, $0x5  }
0x4: {  	s9 =	simm.s32 $0x3;
	s3 =	sshll.u32 s0, $0x6;
	s4 =	sand.u32 $0x20, s1  }
0x5: {  	s10 =	simm.s32 $0x0;
	s13 =	simm.s32 $0x0;
	s3 =	sor.u32 s3, s4  }
0x6: {  	s12 =	simm.s32 $0x0;
	s1 =	rddreg [dreg:$0x1];
	s7 =	ssub.s32 $0x800, s3  }
.Ltmp0:
0x7: {  	_ =	strace $0x80000047;
	s6 =	sand.u32 $0x3E0, s7;
	(pc) =	sbr.rel .LBB2_1-.Ltmp0, $4  }
0x8: {  	s4 =	sadd.s32 $0x8200, s2;
	[sflag:s5] =	ssyncpa.u1 $0x0;
	p0 =	sne.s32 s6, $0x0  }
0x9: {  	s7 =	sshrl.u32 s7, $0xA;
	s6 =	simm.s32 $0x2;
	s8 =	simm.s32 @!p0 $0x0  }
0xa: {  	s11 =	smov.u32 s3;
	[sflag:s6] =	ssyncpa.u1 $0x0;
	s7 =	sadd.s32 s8, s7  }
0xb: {  	vm0 =	vmmov $0xffff;
	s8 =	sadd.s32 $0x14C400, s2;
	[sflag:s9] =	ssyncpa.u1 $0x0;
	s9 =	sadd.s32 $0x1, s7  }
.LBB2_5:
0xc: {  	s15 =	sadd.s32 $0x400, s11  }
0xd: {  	p1 =	sgt.s32 s15, $0x7FF  }
0xe: {  	s15 =	smov.u32 @p1 s3;
	p1 =	sne.s32 s12, s9  }
.Ltmp1:
0xf: {  	p0 =	slt.u32 s12, $0x2;
	(pc) =	sbr.rel @!p1 .LBB2_6-.Ltmp1, $4  }
0x10: {  	s14 =	simm.s32 @!p0 $0x3  }
0x11: {  	_ =	swait.ge @!p0 [sflag:s14], $0x20  }
0x12: {  	s16 =	sadd.s32 $0x1, s12;
	s13 =	smov.u32 s11;
	[sflag:s14] =	ssyncset.done @!p0 $0x0  }
0x13: {  	s12 =	smov.u32 s16;
	s11 =	smov.u32 s15;
	[sflag:s14] =	ssyncadd.s32 @!p0 $0xFFFFFFE0  }
.LBB2_1:
0x14: {  	p0 =	sge.u32 s12, s7  }
0x15: {  	s14 =	sxor.u32 @!p0 $0xFFFFFFFF, s12  }
0x16: {  	s31 =	sadd.s32 $0xFFFFFFFF, s12;
	s15 =	sshrl.u32 @!p0 s11, $0x3;
	s14 =	sshll.u32 @!p0 s14, $0x5  }
0x17: {  	s16 =	sand.u32 @!p0 $0x7, s11;
	s15 =	sadd.s32 @!p0 s4, s15;
	s14 =	sand.u32 @!p0 $0x20, s14  }
0x18: {  	[tilespmem:s14], [sflag:$0x2] =	stream.linear.gather @!p0 [hbm4b:s15+s16], $0x20, $0x38;
	[tilespmem:$0x80] =	vst v63  }
0x19: {  	p0 =	sge.u32 s31, s7  }
.Ltmp2:
0x1a: {  	_ = 	snop;
	(pc) =	sbr.rel @p0 .LBB2_5-.Ltmp2, $1  }
0x1b: {  	_ =	sdelay $0x3  }
0x1c: {  	_ =	swait.ge [sflag:s6], $0x20;
	s14 =	sshll.u32 s12, $0x5;
	s16 =	simm.s32 $0x0  }
0x1d: {  	p0 =	por $0x1, $0x1;
	[sflag:s6] =	ssyncset.done $0x0;
	s15 =	sand.u32 $0x20, s14  }
0x1e: {  	[sflag:s6] =	ssyncadd.s32 $0xFFFFFFE0;
	(ifvalue) =	ssetifvalue $0x7FFFFFFF;
	s14 =	sor.u32 $0x40, s15  }
.LBB2_3:
0x1f: {  	s17 =	sadd.s32 s16, s15  }
0x20: {  	v0 =	vld.msk [tilespmem:s17+$0x0 ss:$0x1], $0xffff;
	_ =	sdelay $0x4  }
0x21: {  	v1 =	vshrl.u32 v0, $0x5;
	v2 =	vshll.u32 v0, $0x7  }
0x22: {  	vm1 =	veq.s32 v0, $0x80000000;
	v61 =	vand.u32 $0x3F, v1;
	v62 =	vand.u32 $0xF80, v2  }
0x23: {  	v0 =	vsel vm1, $0xFFFFFFFF, v61;
	v1 =	vsel vm1, $0xFFFFFF80, v62  }
0x24: {  	v63 =	vand.u32 $0xFFFFFC00, v1;
	v3 =	vand.u32 $0xFFFFFC00, v0  }
0x25: {  	v1 =	vand.u32 $0x380, v1;
	v2 =	vadd.s32 v3, v63  }
0x26: {  	v0 =	vand.u32 $0x7F, v0;
	v1 =	vor.u32 v1, v2  }
0x27: {  	p1 =	por p0, p0;
	v0 =	vor.u32 v0, v1  }
.Ltmp3:
0x28: {  	_ = 	snop;
	(pc) =	sbr.rel @p1 .LBB2_3-.Ltmp3, $4  }
0x29: {  	_ = 	snop  }
0x2a: {  	s31 =	sadd.s32 s16, s14  }
0x2b: {  	s16 =	simm.s32 $0x10;
	p0 =	por $0x0, $0x0;
	(ifvalue) =	ssetifvalue $0x7FFFFFFF  }
0x2c: {  	[tilespmem:s31], [sflag:$0x1] =	stream.indirect_vreg.gather [hbm4b:s2+s10], $0x1, v0, vm0, $0x4038;
	[tilespmem:$0x80] =	vst v63  }
.Ltmp4:
0x2d: {  	(pc) =	sbr.rel .LBB2_5-.Ltmp4, $4  }
0x2e: {  	_ =	swait.ge [sflag:s5], $0x20  }
0x2f: {  	s15 =	sshrl.u32 s13, $0x3;
	[sflag:s5] =	ssyncset.done $0x0  }
0x30: {  	s31 =	sand.u32 $0x7, s13;
	s15 =	sadd.s32 s8, s15;
	[sflag:s5] =	ssyncadd.s32 $0xFFFFFFE0  }
0x31: {  	[hbm4b:s15+s31] =	stream.linear.scatter [tilespmem:s14], [sflag:$0x3], $0x20, $0x38;
	[tilespmem:$0x80] =	vst v63  }
.LBB2_6:
0x32: {  	_ =	sfence.sel $0x180000  }
0x33: {  	s2 =	simm.s32 $0x2;
	[bflag:$0x0] =	sbarrier.arrive $0xFFFF  }
0x34: {  	s30 =	simm.s32 $0x3;
	[sflag:s2] =	ssyncpa.u1 $0x1  }
0x35: {  	s31 =	simm.s32 $0x1;
	[sflag:s30] =	ssyncpa.u1 $0x1  }
0x36: {  	[sflag:s31] =	ssyncpa.u1 $0x1  }
0x37: {  	p0 =	sne.s32 s0, $0x0;
	_ =	strace $0x90000047  }
0x38: {  	s0 =	sadd.s32 @!p0 $0x100000, s1;
	[bflag:$0x2] =	sbarrier.arrive $0xFFFF  }
0x39: {  	[sflag:s0] =	ssyncadd.tile.s32 @!p0 $0x1;
	_ =	shalt  }
.Lfunc_end2:
_tile_overlayer_lowered:
.L_overlay_start_2:
0x3a: {  	(tag) =	ssettag $0x2  }
0x3b: {  	s0 =	rddreg [dreg:$0x0];
	s2 =	stileid.u32  }
0x3c: {  	s1 =	rddreg [dreg:$0x1];
	p0 =	sne.s32 s2, $0x0  }
0x3d: {  	s3 =	rddreg [dreg:$0x2];
	[bflag:$0x3] =	sbarrier.arrive $0xFFFF;
	s2 =	simm.s32 @!p0 $0x1C01  }
0x3e: {  	[timem:s3], [sflag:s2] =	dma.local @!p0 [hbm:s0], s1  }
0x3f: {  	s0 =	simm.s32 @!p0 $0x1  }
0x40: {  	_ =	swait.ge @!p0 [sflag:s0], s1  }
0x41: {  	s1 =	ssub.s32 @!p0 $0x0, s1;
	[sflag:s0] =	ssyncset.done @!p0 $0x0  }
0x42: {  	[sflag:s0] =	ssyncadd.s32 @!p0 s1  }
0x43: {  	[bflag:$0x3] =	sbarrier.arrive $0xFFFF  }
0x44: {  	_ =	shalt  }

// kernel: kernel.4.cloned.1.call-start
scs
__scs_entry_jumppad:
0x0: {  	(pc) =	sbr.rel $0x88, $3  }
0x1: {  	(tag) =	ssettag $0x0;
	lr =	simm.s32 $0x1  }
0x2: {  	[smem:$0x3F8A] =	sst lr;
	_ =	strace $0xD0000000  }
0x3: {  	_ = 	snop  }
0x4: {  	_ = 	snop  }
0x5: {  	_ = 	snop  }
0x6: {  	_ = 	snop  }
0x7: {  	_ = 	snop  }
__scs_overlays_trampoline_lowered:
0x8: {  	[smem:$0x3F99] =	sst s0  }
0x9: {  	[smem:$0x3F9A] =	sst s1  }
0xa: {  	[smem:$0x3F9B] =	sst s2  }
0xb: {  	[smem:$0x3F9C] =	sst s3  }
0xc: {  	[smem:$0x3F9D] =	sst s4  }
0xd: {  	[smem:$0x3F9E] =	sst s5  }
0xe: {  	[smem:$0x3F9F] =	sst s6  }
0xf: {  	[smem:$0x3FA0] =	sst s7  }
0x10: {  	[smem:$0x3FA1] =	sst s8  }
0x11: {  	[smem:$0x3FA2] =	sst s9;
	s0 =	simm.s32 @!p0 $0x0  }
0x12: {  	s1 =	sld [smem:$0x3F88];
	s0 =	simm.s32 @p0 $0x1  }
0x13: {  	[smem:$0x3FA3] =	sst s0;
	s0 =	simm.s32 @!p1 $0x0  }
0x14: {  	s2 =	sld [smem:$0x3F87];
	s0 =	simm.s32 @p1 $0x1  }
0x15: {  	[smem:$0x3FA4] =	sst s0;
	s0 =	simm.s32 @!p2 $0x0  }
0x16: {  	s3 =	sld [smem:$0x3FDB];
	s0 =	simm.s32 @p2 $0x1  }
0x17: {  	s4 =	simm.s32 $0x1BF5;
	[smem:$0x3FA6] =	sst s0  }
0x18: {  	s0 =	sld [smem:$0x3F89];
	_ =	swait.ge [sflag:s4], $0x0  }
0x19: {  	s7 =	sld [smem:$0x3F8A]  }
0x1a: {  	s8 =	sadd.s32 $0xFFFFE003, lr  }
0x1b: {  	s9 =	sadd.s32 $0xFFFFFEF7, lr;
	s5 =	simm.s32 $0xFFFFFFFF;
	p2 =	slt.u32 s8, $0xFFFFF086  }
0x1c: {  	p1 =	slt.u32 s9, $0xF7A;
	s5 =	simm.s32 @!p2 $0x0  }
0x1d: {  	s5 =	simm.s32 @p1 $0x1;
	p0 =	seq.s32 s7, s2  }
0x1e: {  	s7 =	smul.u32 @!p0 $0xF7A, s2;
	p2 =	seq.s32 @!p0 s5, $0x0  }
0x1f: {  	s9 =	smul.u32 $0xF7A, s1;
	s8 =	simm.s32 @!p0 $0x1BF5;
	p2 =	por !p2, p0  }
0x20: {  	[sflag:s8] =	ssyncset.s32 @!p0 $0xFFFFF086;
	s6 =	sadd.s32 @!p0 s3, s7;
	s7 =	simm.s32 @!p0 $0x108  }
0x21: {  	s3 =	sadd.s32 s3, s9;
	s6 =	sadd.s32 @!p0 $0x88, s6;
	s7 =	simm.s32 @p2 $0x1082  }
0x22: {  	[simem:s7], [sflag:s8] =	dma.local @!p0 [hbm:s6], $0xF7A  }
0x23: {  	s9 =	sor.u32 $0xD0000000, s2;
	s6 =	simm.s32 $0x108;
	_ =	swait.ge @!p0 [sflag:s8], $0x0  }
0x24: {  	s3 =	sadd.s32 $0x88, s3;
	s6 =	simm.s32 @!p1 $0x1082;
	[sflag:s4] =	ssyncset.s32 $0xFFFFF086  }
0x25: {  	[simem:s6], [sflag:s4] =	dma.local [hbm:s3], $0xF7A  }
0x26: {  	[smem:$0x3F8A] =	sst s1;
	(tag) =	ssettag s2;
	_ =	strace s9  }
0x27: {  	s1 =	sld [smem:$0x3F9A]  }
0x28: {  	s2 =	sld [smem:$0x3F9B]  }
0x29: {  	s4 =	sld [smem:$0x3F9D]  }
0x2a: {  	p0 =	seq.s32 s5, $0x0;
	s5 =	sld [smem:$0x3F9E]  }
0x2b: {  	s6 =	sld [smem:$0x3F9F]  }
0x2c: {  	s7 =	sld [smem:$0x3FA0]  }
0x2d: {  	s3 =	simm.s32 $0x108;
	s8 =	sld [smem:$0x3FA1]  }
0x2e: {  	s3 =	simm.s32 @!p0 $0x1082;
	s9 =	sld [smem:$0x3FA2]  }
0x2f: {  	lr =	sadd.s32 s0, s3;
	s0 =	sld [smem:$0x3F99]  }
0x30: {  	s3 =	sld [smem:$0x3F9C]  }
0x31: {  	[smem:$0x3FA5] =	sst s10  }
0x32: {  	s10 =	sld [smem:$0x3FA3];
	_ =	sdelay $0x3  }
0x33: {  	p0 =	seq.s32 s10, $0x1;
	s10 =	sld [smem:$0x3FA5];
	_ =	sdelay $0x3  }
0x34: {  	[smem:$0x3FA5] =	sst s10  }
0x35: {  	s10 =	sld [smem:$0x3FA4];
	_ =	sdelay $0x3  }
0x36: {  	p1 =	seq.s32 s10, $0x1;
	s10 =	sld [smem:$0x3FA5];
	_ =	sdelay $0x3  }
0x37: {  	[smem:$0x3FA5] =	sst s10  }
0x38: {  	s10 =	sld [smem:$0x3FA6]  }
0x39: {  	_ = 	snop;
	(pc) =	sbr.ind lr, $3  }
0x3a: {  	_ = 	snop  }
0x3b: {  	_ = 	snop  }
0x3c: {  	p2 =	seq.s32 s10, $0x1;
	s10 =	sld [smem:$0x3FA5]  }
0x3d: {  	_ =	shalt  }
0x3e: {  	_ =	shalt  }
0x3f: {  	_ =	shalt  }
0x40: {  	_ =	shalt  }
0x41: {  	_ =	shalt  }
0x42: {  	_ =	shalt  }
0x43: {  	_ =	shalt  }
0x44: {  	_ =	shalt  }
0x45: {  	_ =	shalt  }
0x46: {  	_ =	shalt  }
0x47: {  	_ =	shalt  }
0x48: {  	_ =	shalt  }
0x49: {  	_ =	shalt  }
0x4a: {  	_ =	shalt  }
0x4b: {  	_ =	shalt  }
0x4c: {  	_ =	shalt  }
0x4d: {  	_ =	shalt  }
0x4e: {  	_ =	shalt  }
0x4f: {  	_ =	shalt  }
0x50: {  	_ =	shalt  }
0x51: {  	_ =	shalt  }
0x52: {  	_ =	shalt  }
0x53: {  	_ =	shalt  }
0x54: {  	_ =	shalt  }
0x55: {  	_ =	shalt  }
0x56: {  	_ =	shalt  }
0x57: {  	_ =	shalt  }
0x58: {  	_ =	shalt  }
0x59: {  	_ =	shalt  }
0x5a: {  	_ =	shalt  }
0x5b: {  	_ =	shalt  }
0x5c: {  	_ =	shalt  }
0x5d: {  	_ =	shalt  }
0x5e: {  	_ =	shalt  }
0x5f: {  	_ =	shalt  }
0x60: {  	_ =	shalt  }
0x61: {  	_ =	shalt  }
0x62: {  	_ =	shalt  }
0x63: {  	_ =	shalt  }
0x64: {  	_ =	shalt  }
0x65: {  	_ =	shalt  }
0x66: {  	_ =	shalt  }
0x67: {  	_ =	shalt  }
0x68: {  	_ =	shalt  }
0x69: {  	_ =	shalt  }
0x6a: {  	_ =	shalt  }
0x6b: {  	_ =	shalt  }
0x6c: {  	_ =	shalt  }
0x6d: {  	_ =	shalt  }
0x6e: {  	_ =	shalt  }
0x6f: {  	_ =	shalt  }
0x70: {  	_ =	shalt  }
0x71: {  	_ =	shalt  }
0x72: {  	_ =	shalt  }
0x73: {  	_ =	shalt  }
0x74: {  	_ =	shalt  }
0x75: {  	_ =	shalt  }
0x76: {  	_ =	shalt  }
0x77: {  	_ =	shalt  }
0x78: {  	_ =	shalt  }
0x79: {  	_ =	shalt  }
0x7a: {  	_ =	shalt  }
0x7b: {  	_ =	shalt  }
0x7c: {  	_ =	shalt  }
0x7d: {  	_ =	shalt  }
0x7e: {  	_ =	shalt  }
0x7f: {  	_ =	shalt  }
0x80: {  	_ =	shalt  }
0x81: {  	_ =	shalt  }
0x82: {  	_ =	shalt  }
0x83: {  	_ =	shalt  }
0x84: {  	_ =	shalt  }
0x85: {  	_ =	shalt  }
0x86: {  	_ =	shalt  }
0x87: {  	_ =	shalt  }
.Lfunc_end0:
.L_simem_size_0:
called_computation.2_lowered:
.L_overlay_start_0:
0x88: {  	s2 =	sld [smem:$0x3FD9]  }
0x89: {  	s3 =	sld [smem:$0x3FFE];
	_ =	sdelay $0x1  }
0x8a: {  	s1 =	srdreg.scid  }
0x8b: {  	s0 =	sand.u32 $0x1, s1  }
0x8c: {  	s16 =	sshll.u32 s0, $0xA;
	s2 =	sadd.s32 s3, s2  }
0x8d: {  	s2 =	sadd.s32 s2, s16  }
0x8e: {  	[smem:$0x3FB1] =	sst s2  }
0x8f: {  	_ = 	snop  }
0x90: {  	(tm) =	ssettm $0x1  }
0x91: {  	s17 =	sld [smem:$0x3FFB];
	_ =	sdelay $0x3  }
0x92: {  	_ =	strace s17  }
0x93: {  	s2 =	sld [smem:$0x3FFC];
	_ =	sdelay $0x3  }
0x94: {  	_ =	strace s2  }
0x95: {  	s2 =	sld [smem:$0x3FFD];
	_ =	sdelay $0x3  }
0x96: {  	_ =	strace s2  }
0x97: {  	_ =	strace $0x8FFFFFFF  }
0x98: {  	s18 =	sld [smem:$0x3FDB];
	_ =	sdelay $0x1  }
0x99: {  	s19 =	simm.s32 $_scs_section_size  }
0x9a: {  	s4 =	simm.s32 $_size__tile_overlayer_lowered;
	s5 =	simm.s32 $_tile_overlayer_lowered  }
0x9b: {  	s22 =	simm.s32 $0x1BFF;
	s21 =	sshll.u32 s5, $0x1;
	s2 =	sadd.s32 s19, s18  }
0x9c: {  	s6 =	simm.s32 $0x0;
	s20 =	sshll.u32 s4, $0x1;
	s4 =	sadd.s32 s21, s2  }
0x9d: {  	[timem:s6], [sflag:s22] =	dma.local [hbm:s4], s20  }
0x9e: {  	_ =	swait.ge [sflag:s22], s20  }
0x9f: {  	s3 =	ssub.s32 $0x0, s20;
	[sflag:s22] =	ssyncset.done $0x0  }
0xa0: {  	[sflag:s22] =	ssyncadd.s32 s3;
	_ =	sdelay $0x1  }
0xa1: {  	s23 =	simm.s32 $0x1B8B  }
0xa2: {  	_ =	swait.ge [sflag:s23], $0x1  }
0xa3: {  	[sflag:s23] =	ssyncset.done $0x0  }
0xa4: {  	s25 =	simm.s32 $0x1B8E;
	s24 =	sld [smem:$0x3FFE];
	[sflag:s23] =	ssyncadd.s32 $0xFFFFFFFF  }
0xa5: {  	s26 =	simm.s32 $execute0_lowered;
	[smem:$0x3FD2] =	sst s25  }
0xa6: {  	s4 =	sshll.u32 s26, $0x1;
	_ =	strace $0x8000004C;
	[dreg:$0x1] =	wrdreg $0xFFFFFFFF  }
0xa7: {  	s28 =	simm.s32 $_size_execute0_lowered;
	s2 =	sadd.s32 s2, s4;
	[dreg:$0x0] =	wrdreg $0x0  }
0xa8: {  	s4 =	sshll.u32 s28, $0x1;
	[dreg:$0x2] =	wrdreg s2  }
0xa9: {  	[dreg:$0x3] =	wrdreg s4  }
0xaa: {  	[dreg:$0x4] =	wrdreg $0xC0  }
0xab: {  	_ =	task [dreg:s6], $0x5FFFF  }
0xac: {  	[dreg:$0x1] =	wrdreg $0xFFFFFFFF  }
0xad: {  	[dreg:$0x0] =	wrdreg $0x60  }
0xae: {  	[dreg:$0x2] =	wrdreg s24  }
0xaf: {  	[dreg:$0x3] =	wrdreg $0x9  }
0xb0: {  	_ =	task.clear_ibuf [dreg:s6], $0x4FFFF;
	_ =	strace $0x9000004C  }
0xb1: {  	s29 =	simm.s32 $0x9;
	_ =	strace $0x8000004E  }
0xb2: {  	_ =	swait.ge [sflag:s29], $0x1  }
0xb3: {  	[sflag:s29] =	ssyncadd.s32 $0xFFFFFFFF  }
0xb4: {  	_ =	strace $0x9000004E  }
0xb5: {  	_ =	sfence  }
0xb6: {  	s30 =	sld [smem:$0x0];
	_ =	sdelay $0x2  }
0xb7: {  	s31 =	sshll.u32 s1, $0xD;
	s1 =	sshrl.u32 s1, $0x2  }
0xb8: {  	s3 =	sand.u32 $0x4000, s31;
	s1 =	sadd.s32 s1, s30  }
0xb9: {  	s0 =	sor.u32 s3, s0;
	s1 =	sshll.u32 s1, $0x11  }
0xba: {  	s0 =	sor.u32 s1, s0  }
0xbb: {  	s0 =	sadd.s32 $0x8F2B, s0  }
0xbc: {  	[sflag:s0] =	ssyncadd.remote.s32 $0x1  }
0xbd: {  	_ =	sfence.sel $0xFFFF  }
0xbe: {  	[dreg:$0x0] =	wrdreg $0xFFFFFFFF;
	(pc) =	sbr.abs _section_cstart, $3  }
0xbf: {  	[dreg:$0x1] =	wrdreg $0xFFFFFFFF  }
0xc0: {  	_ =	task.clear_ibuf [dreg:s6], $0x2FFFF;
	_ =	strace $0x9FFFFFFF  }
0xc1: {  	(tm) =	ssettm $0x7FFFFFFF  }
tec
execute0_lowered:
.L_overlay_start_1:
0x0: {  	(tag) =	ssettag $0x1  }
0x1: {  	s1 =	srdreg.scid  }
0x2: {  	s0 =	stileid.u32;
	s8 =	rddreg [dreg:$0x0];
	s2 =	simm.s32 $0x0  }
0x3: {  	s12 =	simm.s32 $0x600;
	s13 =	simm.s32 $0x7B30;
	s14 =	simm.s32 $0x408  }
0x4: {  	s15 =	simm.s32 $0xA240;
	s16 =	simm.s32 $0x11770;
	s17 =	simm.s32 $0x1  }
0x5: {  	s18 =	simm.s32 $0x13E80;
	s19 =	simm.s32 $0x2;
	s20 =	simm.s32 $0x18CA0  }
0x6: {  	s4 =	sand.u32 $0x1, s1;
	s3 =	sshll.u32 s0, $0x1;
	s1 =	rddreg [dreg:$0x1]  }
0x7: {  	s21 =	simm.s32 $0x0;
	[smem:$0x7FF] =	sst s2;
	s5 =	sor.u32 s4, s3  }
0x8: {  	_ =	strace $0x8000004D;
	s9 =	ssub.s32 $0x2, s4;
	s4 =	sadd.s32 $0x4F9400, s8  }
0x9: {  	s3 =	sshll.u32 s5, $0x7;
	s31 =	sshll.u32 s5, $0x6;
	s10 =	sshrl.u32 s9, $0x1  }
0xa: {  	s11 =	smul.u32 $0x4E2, s5;
	s5 =	sadd.s32 $0x288400, s8;
	s6 =	sadd.s32 s3, s8  }
0xb: {  	s7 =	sadd.s32 s31, s8;
	s3 =	sadd.s32 $0x14C600, s8;
	s9 =	ssub.s32 s9, s10  }
0xc: {  	s10 =	simm.s32 $0x3;
	s6 =	sadd.s32 $0x284E00, s6;
	s7 =	sadd.s32 $0x285E00, s7  }
0xd: {  	v0 =	vimm.f32 $0.0e+00;
	s8 =	sadd.s32 s8, s11;
	s9 =	smax.u32 s9, $0x1;
	s11 =	simm.s32 $0x400  }
.LBB2_1:
0xe: {  	[tilespmem:s2], [sflag:$0x3] =	stream.linear.gather [hbm4b:s6+s2], $0x400, $0x38;
	[tilespmem:$0x1B3B0] =	vst v63  }
0xf: {  	_ =	swait.ge [sflag:s10], $0x400  }
0x10: {  	[sflag:s10] =	ssyncset.done $0x0  }
0x11: {  	[sflag:s10] =	ssyncadd.s32 $0xFFFFFC00  }
0x12: {  	[tilespmem:s11], [sflag:$0x3] =	stream.linear.gather [hbm4b:s7+s2], $0x200, $0x38;
	[tilespmem:$0x1B3B0] =	vst v63  }
0x13: {  	_ =	swait.ge [sflag:s10], $0x200  }
0x14: {  	[sflag:s10] =	ssyncset.done $0x0  }
0x15: {  	s22 =	simm.s32 $0x40;
	s23 =	simm.s32 $0x0;
	[sflag:s10] =	ssyncadd.s32 $0xFFFFFE00  }
.LBB2_2:
0x16: {  	p0 =	sne.s32 s22, $0x9C00;
	[tilespmem:s23+$0x13E80] =	vst v0;
	s24 =	smov.u32 s22;
	s22 =	sadd.s32 $0x40, s22  }
.Ltmp0:
0x17: {  	[tilespmem:s23+$0x18CA0] =	vst v0;
	(pc) =	sbr.rel @p0 .LBB2_2-.Ltmp0, $2  }
0x18: {  	[tilespmem:s23+$0x16590] =	vst v0;
	_ =	sdelay $0x2  }
0x19: {  	s23 =	sshra.s32 s24, $0x2  }
0x1a: {  	[tilespmem:s23+$0x13E80] =	vst v0  }
0x1b: {  	[tilespmem:s23+$0x18CA0] =	vst v0  }
0x1c: {  	[tilespmem:s23+$0x16590] =	vst v0  }
0x1d: {  	v1 =	vld [tilespmem:$0x0];
	_ =	sdelay $0x4  }
0x1e: {  	(v2sf) =	vpush v1, $0x4;
	_ =	sdelay $0xe  }
0x1f: {  	s22 =	spop (v2sf)  }
0x20: {  	s22 =	smul.u32 $0x2710, s22  }
0x21: {  	[tilespmem:s12], [sflag:$0x1] =	stream.indirect.gather [hbm4b:s3+s10], $0x2710, s11, s10, $0xb8;
	[tilespmem:$0x1B3B0] =	vst v63  }
0x22: {  	s22 =	sshrl.u32 s22, $0x3  }
0x23: {  	s30 =	sadd.s32 s4, s22;
	s22 =	simm.s32 $0x0  }
0x24: {  	[tilespmem:s13], [sflag:$0x1] =	stream.linear.gather [hbm4b:s30+s22], $0x2710, $0x38;
	[tilespmem:$0x1B3B0] =	vst v63  }
0x25: {  	v1 =	vld [tilespmem:$0x10];
	_ =	sdelay $0x4  }
0x26: {  	(v2sf) =	vpush v1, $0x4;
	_ =	sdelay $0xe  }
0x27: {  	s31 =	spop (v2sf)  }
0x28: {  	s23 =	smul.u32 $0x2710, s31  }
0x29: {  	[tilespmem:s15], [sflag:$0x2] =	stream.indirect.gather [hbm4b:s3+s10], $0x2710, s14, s10, $0xb8;
	[tilespmem:$0x1B3B0] =	vst v63  }
0x2a: {  	s23 =	sshrl.u32 s23, $0x3  }
0x2b: {  	s23 =	sadd.s32 s4, s23  }
0x2c: {  	[tilespmem:s16], [sflag:$0x2] =	stream.linear.gather [hbm4b:s23+s22], $0x2710, $0x38;
	[tilespmem:$0x1B3B0] =	vst v63  }
.LBB2_4:
0x2d: {  	_ =	swait.ge [sflag:s17], $0x7530  }
0x2e: {  	[sflag:s17] =	ssyncset.done $0x0  }
0x2f: {  	[sflag:s17] =	ssyncadd.s32 $0xFFFF8AD0  }
0x30: {  	_ =	swait.ge [sflag:s17], $0x2710  }
0x31: {  	s23 =	sshll.u32 s22, $0x5;
	[sflag:s17] =	ssyncset.done $0x0  }
0x32: {  	s24 =	sand.u32 $0x3FFFFFE0, s23;
	[sflag:s17] =	ssyncadd.s32 $0xFFFFD8F0  }
0x33: {  	v1 =	vld [tilespmem:s24+$0x0];
	_ =	sdelay $0x4  }
0x34: {  	(v2sf) =	vpush v1, $0x5;
	_ =	sdelay $0xe  }
0x35: {  	s31 =	spop (v2sf)  }
0x36: {  	p0 =	sne.s32 s31, $0x1  }
.Ltmp1:
0x37: {  	_ = 	snop;
	(pc) =	sbr.rel @p0 .LBB2_8-.Ltmp1, $1  }
0x38: {  	_ =	sdelay $0x3  }
0x39: {  	s23 =	simm.s32 $0x0  }
0x3a: {  	v2 =	vld [tilespmem:s23+$0x16590]  }
0x3b: {  	v3 =	vld [tilespmem:s23+$0x13E80];
	_ =	sdelay $0x1  }
0x3c: {  	v4 =	vld [tilespmem:s23+$0x18CA0];
	_ =	sdelay $0x2  }
0x3d: {  	v3 =	vmul.f32 v3, v2  }
0x3e: {  	s25 =	simm.s32 $0x10;
	[tilespmem:s23+$0x16590] =	vst v0  }
0x3f: {  	s26 =	simm.s32 $0x80;
	v2 =	vld [tilespmem:s25+$0x16590];
	v3 =	vadd.f32 v3, v4  }
.LBB2_6:
0x40: {  	p0 =	sne.s32 s26, $0x9C00;
	v4 =	vld [tilespmem:s25+$0x13E80];
	s28 =	smov.u32 s26;
	s26 =	sadd.s32 $0x40, s26  }
0x41: {  	[tilespmem:s23+$0x18CA0] =	vst v3;
	s23 =	smov.u32 s25  }
0x42: {  	v3 =	vld [tilespmem:s23+$0x18CA0]  }
.Ltmp2:
0x43: {  	(pc) =	sbr.rel @p0 .LBB2_6-.Ltmp2, $4  }
0x44: {  	_ = 	snop  }
0x45: {  	v4 =	vmul.f32 v4, v2  }
0x46: {  	s25 =	sshra.s32 s28, $0x2;
	[tilespmem:s23+$0x16590] =	vst v0  }
0x47: {  	v2 =	vld [tilespmem:s25+$0x16590];
	v3 =	vadd.f32 v4, v3  }
0x48: {  	(v2sf) =	vpush v1, $0x3;
	_ =	sdelay $0x9  }
0x49: {  	v1 =	vld [tilespmem:s25+$0x13E80]  }
0x4a: {  	[tilespmem:s23+$0x18CA0] =	vst v3  }
0x4b: {  	v3 =	vld [tilespmem:s25+$0x18CA0];
	_ =	sdelay $0x2  }
0x4c: {  	v1 =	vmul.f32 v1, v2;
	s31 =	spop (v2sf)  }
0x4d: {  	s23 =	smul.u32 $0x2710, s31  }
0x4e: {  	v1 =	vadd.f32 v1, v3  }
0x4f: {  	[tilespmem:s25+$0x16590] =	vst v0;
	s23 =	sshrl.u32 s23, $0x3  }
0x50: {  	[tilespmem:s25+$0x18CA0] =	vst v1;
	s23 =	sadd.s32 s5, s23  }
0x51: {  	[tilespmem:s18], [sflag:$0x3] =	stream.linear.gather [hbm4b:s23+s2], $0x2710, $0x38;
	[tilespmem:$0x1B3B0] =	vst v63  }
0x52: {  	_ =	swait.ge [sflag:s10], $0x2710  }
0x53: {  	[sflag:s10] =	ssyncset.done $0x0  }
0x54: {  	[sflag:s10] =	ssyncadd.s32 $0xFFFFD8F0  }
.LBB2_8:
0x55: {  	s25 =	simm.s32 $0x0  }
0x56: {  	v2 =	vld [tilespmem:s25+$0x600]  }
0x57: {  	v3 =	vld [tilespmem:s25+$0x2D10];
	_ =	sdelay $0x1  }
0x58: {  	v4 =	vld [tilespmem:s25+$0x5420];
	_ =	sdelay $0x1  }
0x59: {  	v1 =	vld [tilespmem:s25+$0x7B30]  }
0x5a: {  	v5 =	vadd.f32 v3, v2  }
0x5b: {  	s26 =	simm.s32 $0x10;
	v3 =	vld [tilespmem:s25+$0x16590]  }
0x5c: {  	s23 =	sshll.u32 s22, $0x1;
	s28 =	simm.s32 $0x80;
	v2 =	vld [tilespmem:s26+$0x600];
	v4 =	vadd.f32 v4, v5  }
.LBB2_9:
0x5d: {  	p0 =	sne.s32 s28, $0x9C00;
	v5 =	vld [tilespmem:s26+$0x2D10]  }
0x5e: {  	v1 =	vmul.f32 v1, v4  }
0x5f: {  	v4 =	vld [tilespmem:s26+$0x5420]  }
.Ltmp3:
0x60: {  	v3 =	vadd.f32 v1, v3;
	(pc) =	sbr.rel @p0 .LBB2_9-.Ltmp3, $4  }
0x61: {  	v1 =	vld [tilespmem:s26+$0x7B30]  }
0x62: {  	v5 =	vadd.f32 v5, v2;
	[tilespmem:s25+$0x16590] =	vst v3;
	s25 =	smov.u32 s26  }
0x63: {  	s26 =	sshra.s32 s28, $0x2;
	v3 =	vld [tilespmem:s25+$0x16590]  }
0x64: {  	s28 =	sadd.s32 $0x40, s28;
	v2 =	vld [tilespmem:s26+$0x600];
	v4 =	vadd.f32 v4, v5  }
0x65: {  	v5 =	vld [tilespmem:s26+$0x2D10]  }
0x66: {  	v1 =	vmul.f32 v1, v4  }
0x67: {  	v63 =	vld [tilespmem:s26+$0x5420]  }
0x68: {  	v1 =	vadd.f32 v1, v3  }
0x69: {  	v3 =	vld [tilespmem:s26+$0x7B30]  }
0x6a: {  	v2 =	vadd.f32 v5, v2;
	[tilespmem:s25+$0x16590] =	vst v1  }
0x6b: {  	v1 =	vld [tilespmem:s26+$0x16590]  }
0x6c: {  	v2 =	vadd.f32 v63, v2;
	_ =	sdelay $0x1  }
0x6d: {  	v2 =	vmul.f32 v3, v2;
	_ =	sdelay $0x1  }
0x6e: {  	s30 =	sadd.s32 $0x2, s23;
	v1 =	vadd.f32 v2, v1  }
0x6f: {  	s28 =	sshll.u32 s30, $0x4  }
0x70: {  	s31 =	sand.u32 $0x3FFFFFF0, s28;
	[tilespmem:s26+$0x16590] =	vst v1  }
0x71: {  	v1 =	vld [tilespmem:s31+$0x0];
	_ =	sdelay $0x4  }
0x72: {  	(v2sf) =	vpush v1, $0x4;
	_ =	sdelay $0xd  }
0x73: {  	s25 =	sshll.u32 s30, $0x3  }
0x74: {  	s25 =	sand.u32 $0x3FFFFFF8, s25;
	s28 =	spop (v2sf)  }
0x75: {  	s25 =	sadd.s32 $0x400, s25;
	s26 =	smul.u32 $0x2710, s28  }
0x76: {  	[tilespmem:s12], [sflag:$0x1] =	stream.indirect.gather [hbm4b:s3+s10], $0x2710, s25, s10, $0xb8;
	[tilespmem:$0x1B3B0] =	vst v63  }
0x77: {  	s29 =	sshrl.u32 s26, $0x3  }
0x78: {  	s30 =	simm.s32 $0x0;
	s25 =	sadd.s32 s4, s29  }
0x79: {  	[tilespmem:s13], [sflag:$0x1] =	stream.linear.gather [hbm4b:s25+s30], $0x2710, $0x38;
	[tilespmem:$0x1B3B0] =	vst v63  }
0x7a: {  	_ =	swait.ge [sflag:s19], $0x7530  }
0x7b: {  	[sflag:s19] =	ssyncset.done $0x0  }
0x7c: {  	[sflag:s19] =	ssyncadd.s32 $0xFFFF8AD0  }
0x7d: {  	_ =	swait.ge [sflag:s19], $0x2710  }
0x7e: {  	[sflag:s19] =	ssyncset.done $0x0  }
0x7f: {  	[sflag:s19] =	ssyncadd.s32 $0xFFFFD8F0  }
0x80: {  	v1 =	vld [tilespmem:s24+$0x10];
	_ =	sdelay $0x4  }
0x81: {  	(v2sf) =	vpush v1, $0x5;
	_ =	sdelay $0xe  }
0x82: {  	s31 =	spop (v2sf)  }
0x83: {  	p0 =	sne.s32 s31, $0x1  }
.Ltmp4:
0x84: {  	_ = 	snop;
	(pc) =	sbr.rel @p0 .LBB2_14-.Ltmp4, $1  }
0x85: {  	_ =	sdelay $0x3  }
0x86: {  	s24 =	simm.s32 $0x0  }
0x87: {  	v2 =	vld [tilespmem:s24+$0x16590]  }
0x88: {  	v3 =	vld [tilespmem:s24+$0x13E80];
	_ =	sdelay $0x1  }
0x89: {  	v4 =	vld [tilespmem:s24+$0x18CA0];
	_ =	sdelay $0x2  }
0x8a: {  	v3 =	vmul.f32 v3, v2  }
0x8b: {  	s25 =	simm.s32 $0x10;
	[tilespmem:s24+$0x16590] =	vst v0  }
0x8c: {  	s26 =	simm.s32 $0x80;
	v2 =	vld [tilespmem:s25+$0x16590];
	v3 =	vadd.f32 v3, v4  }
.LBB2_12:
0x8d: {  	p0 =	sne.s32 s26, $0x9C00;
	v4 =	vld [tilespmem:s25+$0x13E80];
	s28 =	smov.u32 s26;
	s26 =	sadd.s32 $0x40, s26  }
0x8e: {  	[tilespmem:s24+$0x18CA0] =	vst v3;
	s24 =	smov.u32 s25  }
0x8f: {  	v3 =	vld [tilespmem:s24+$0x18CA0]  }
.Ltmp5:
0x90: {  	(pc) =	sbr.rel @p0 .LBB2_12-.Ltmp5, $4  }
0x91: {  	_ = 	snop  }
0x92: {  	v4 =	vmul.f32 v4, v2  }
0x93: {  	s25 =	sshra.s32 s28, $0x2;
	[tilespmem:s24+$0x16590] =	vst v0  }
0x94: {  	v2 =	vld [tilespmem:s25+$0x16590];
	v3 =	vadd.f32 v4, v3  }
0x95: {  	(v2sf) =	vpush v1, $0x3;
	_ =	sdelay $0x9  }
0x96: {  	v1 =	vld [tilespmem:s25+$0x13E80]  }
0x97: {  	[tilespmem:s24+$0x18CA0] =	vst v3  }
0x98: {  	v3 =	vld [tilespmem:s25+$0x18CA0];
	_ =	sdelay $0x2  }
0x99: {  	v1 =	vmul.f32 v1, v2;
	s31 =	spop (v2sf)  }
0x9a: {  	s24 =	smul.u32 $0x2710, s31  }
0x9b: {  	v1 =	vadd.f32 v1, v3  }
0x9c: {  	[tilespmem:s25+$0x16590] =	vst v0;
	s24 =	sshrl.u32 s24, $0x3  }
0x9d: {  	[tilespmem:s25+$0x18CA0] =	vst v1;
	s24 =	sadd.s32 s5, s24  }
0x9e: {  	[tilespmem:s18], [sflag:$0x3] =	stream.linear.gather [hbm4b:s24+s2], $0x2710, $0x38;
	[tilespmem:$0x1B3B0] =	vst v63  }
0x9f: {  	_ =	swait.ge [sflag:s10], $0x2710  }
0xa0: {  	[sflag:s10] =	ssyncset.done $0x0  }
0xa1: {  	[sflag:s10] =	ssyncadd.s32 $0xFFFFD8F0  }
.LBB2_14:
0xa2: {  	s24 =	simm.s32 $0x0  }
0xa3: {  	v2 =	vld [tilespmem:s24+$0xA240]  }
0xa4: {  	v3 =	vld [tilespmem:s24+$0xC950];
	_ =	sdelay $0x1  }
0xa5: {  	v4 =	vld [tilespmem:s24+$0xF060];
	_ =	sdelay $0x1  }
0xa6: {  	v1 =	vld [tilespmem:s24+$0x11770]  }
0xa7: {  	v5 =	vadd.f32 v3, v2  }
0xa8: {  	s25 =	simm.s32 $0x10;
	v3 =	vld [tilespmem:s24+$0x16590]  }
0xa9: {  	s26 =	simm.s32 $0x80;
	v2 =	vld [tilespmem:s25+$0xA240];
	v4 =	vadd.f32 v4, v5  }
.LBB2_15:
0xaa: {  	p0 =	sne.s32 s26, $0x9C00;
	v5 =	vld [tilespmem:s25+$0xC950]  }
0xab: {  	v1 =	vmul.f32 v1, v4  }
0xac: {  	v4 =	vld [tilespmem:s25+$0xF060]  }
.Ltmp6:
0xad: {  	v3 =	vadd.f32 v1, v3;
	(pc) =	sbr.rel @p0 .LBB2_15-.Ltmp6, $4  }
0xae: {  	v1 =	vld [tilespmem:s25+$0x11770]  }
0xaf: {  	v5 =	vadd.f32 v5, v2;
	[tilespmem:s24+$0x16590] =	vst v3;
	s24 =	smov.u32 s25  }
0xb0: {  	s25 =	sshra.s32 s26, $0x2;
	v3 =	vld [tilespmem:s24+$0x16590]  }
0xb1: {  	s26 =	sadd.s32 $0x40, s26;
	v2 =	vld [tilespmem:s25+$0xA240];
	v4 =	vadd.f32 v4, v5  }
0xb2: {  	v5 =	vld [tilespmem:s25+$0xC950]  }
0xb3: {  	v1 =	vmul.f32 v1, v4  }
0xb4: {  	v63 =	vld [tilespmem:s25+$0xF060]  }
0xb5: {  	v1 =	vadd.f32 v1, v3  }
0xb6: {  	v3 =	vld [tilespmem:s25+$0x11770]  }
0xb7: {  	v2 =	vadd.f32 v5, v2;
	[tilespmem:s24+$0x16590] =	vst v1  }
0xb8: {  	v1 =	vld [tilespmem:s25+$0x16590]  }
0xb9: {  	v2 =	vadd.f32 v63, v2;
	_ =	sdelay $0x1  }
0xba: {  	v2 =	vmul.f32 v3, v2;
	_ =	sdelay $0x1  }
0xbb: {  	s23 =	sadd.s32 $0x3, s23;
	v1 =	vadd.f32 v2, v1  }
0xbc: {  	s29 =	sshll.u32 s23, $0x4  }
0xbd: {  	s24 =	sand.u32 $0x3FFFFFF0, s29;
	[tilespmem:s25+$0x16590] =	vst v1  }
0xbe: {  	v1 =	vld [tilespmem:s24+$0x0];
	_ =	sdelay $0x4  }
0xbf: {  	(v2sf) =	vpush v1, $0x4;
	_ =	sdelay $0xe  }
0xc0: {  	s22 =	sadd.s32 $0x1, s22;
	s23 =	sshll.u32 s23, $0x3;
	s30 =	spop (v2sf)  }
0xc1: {  	p0 =	sne.s32 s22, $0x1F;
	s23 =	sand.u32 $0x3FFFFFF8, s23;
	s24 =	smul.u32 $0x2710, s30  }
.Ltmp7:
0xc2: {  	s23 =	sadd.s32 $0x400, s23;
	(pc) =	sbr.rel @p0 .LBB2_4-.Ltmp7, $4  }
0xc3: {  	[tilespmem:s15], [sflag:$0x2] =	stream.indirect.gather [hbm4b:s3+s10], $0x2710, s23, s10, $0xb8;
	[tilespmem:$0x1B3B0] =	vst v63  }
0xc4: {  	s31 =	sshrl.u32 s24, $0x3  }
0xc5: {  	s23 =	sadd.s32 s4, s31  }
0xc6: {  	[tilespmem:s16], [sflag:$0x2] =	stream.linear.gather [hbm4b:s23+s2], $0x2710, $0x38;
	[tilespmem:$0x1B3B0] =	vst v63  }
0xc7: {  	_ =	swait.ge [sflag:s17], $0x7530  }
0xc8: {  	[sflag:s17] =	ssyncset.done $0x0  }
0xc9: {  	[sflag:s17] =	ssyncadd.s32 $0xFFFF8AD0  }
0xca: {  	_ =	swait.ge [sflag:s17], $0x2710  }
0xcb: {  	[sflag:s17] =	ssyncset.done $0x0  }
0xcc: {  	[sflag:s17] =	ssyncadd.s32 $0xFFFFD8F0  }
0xcd: {  	v1 =	vld [tilespmem:$0x3E0];
	_ =	sdelay $0x4  }
0xce: {  	(v2sf) =	vpush v1, $0x5;
	_ =	sdelay $0xe  }
0xcf: {  	s22 =	spop (v2sf)  }
0xd0: {  	p0 =	sne.s32 s22, $0x1  }
.Ltmp8:
0xd1: {  	_ = 	snop;
	(pc) =	sbr.rel @p0 .LBB2_21-.Ltmp8, $1  }
0xd2: {  	_ =	sdelay $0x3  }
0xd3: {  	s22 =	simm.s32 $0x0  }
0xd4: {  	v2 =	vld [tilespmem:s22+$0x16590]  }
0xd5: {  	v3 =	vld [tilespmem:s22+$0x13E80];
	_ =	sdelay $0x1  }
0xd6: {  	v4 =	vld [tilespmem:s22+$0x18CA0];
	_ =	sdelay $0x2  }
0xd7: {  	v3 =	vmul.f32 v3, v2  }
0xd8: {  	s23 =	simm.s32 $0x10;
	[tilespmem:s22+$0x16590] =	vst v0  }
0xd9: {  	s24 =	simm.s32 $0x80;
	v2 =	vld [tilespmem:s23+$0x16590];
	v3 =	vadd.f32 v3, v4  }
.LBB2_19:
0xda: {  	p0 =	sne.s32 s24, $0x9C00;
	v4 =	vld [tilespmem:s23+$0x13E80];
	s25 =	smov.u32 s24;
	s24 =	sadd.s32 $0x40, s24  }
0xdb: {  	[tilespmem:s22+$0x18CA0] =	vst v3;
	s22 =	smov.u32 s23  }
0xdc: {  	v3 =	vld [tilespmem:s22+$0x18CA0]  }
.Ltmp9:
0xdd: {  	(pc) =	sbr.rel @p0 .LBB2_19-.Ltmp9, $4  }
0xde: {  	_ = 	snop  }
0xdf: {  	v4 =	vmul.f32 v4, v2  }
0xe0: {  	s23 =	sshra.s32 s25, $0x2;
	[tilespmem:s22+$0x16590] =	vst v0  }
0xe1: {  	v2 =	vld [tilespmem:s23+$0x16590];
	v3 =	vadd.f32 v4, v3  }
0xe2: {  	(v2sf) =	vpush v1, $0x3;
	_ =	sdelay $0x9  }
0xe3: {  	v1 =	vld [tilespmem:s23+$0x13E80]  }
0xe4: {  	[tilespmem:s22+$0x18CA0] =	vst v3  }
0xe5: {  	v3 =	vld [tilespmem:s23+$0x18CA0];
	_ =	sdelay $0x2  }
0xe6: {  	v1 =	vmul.f32 v1, v2;
	s31 =	spop (v2sf)  }
0xe7: {  	s22 =	smul.u32 $0x2710, s31  }
0xe8: {  	v1 =	vadd.f32 v1, v3  }
0xe9: {  	[tilespmem:s23+$0x16590] =	vst v0;
	s22 =	sshrl.u32 s22, $0x3  }
0xea: {  	[tilespmem:s23+$0x18CA0] =	vst v1;
	s22 =	sadd.s32 s5, s22  }
0xeb: {  	[tilespmem:s18], [sflag:$0x3] =	stream.linear.gather [hbm4b:s22+s2], $0x2710, $0x38;
	[tilespmem:$0x1B3B0] =	vst v63  }
0xec: {  	_ =	swait.ge [sflag:s10], $0x2710  }
0xed: {  	[sflag:s10] =	ssyncset.done $0x0  }
0xee: {  	[sflag:s10] =	ssyncadd.s32 $0xFFFFD8F0  }
.LBB2_21:
0xef: {  	s22 =	simm.s32 $0x0  }
0xf0: {  	v2 =	vld [tilespmem:s22+$0x600]  }
0xf1: {  	v3 =	vld [tilespmem:s22+$0x2D10];
	_ =	sdelay $0x1  }
0xf2: {  	v4 =	vld [tilespmem:s22+$0x5420];
	_ =	sdelay $0x1  }
0xf3: {  	v1 =	vld [tilespmem:s22+$0x7B30]  }
0xf4: {  	v5 =	vadd.f32 v3, v2  }
0xf5: {  	s23 =	simm.s32 $0x10;
	v3 =	vld [tilespmem:s22+$0x16590]  }
0xf6: {  	s24 =	simm.s32 $0x80;
	v2 =	vld [tilespmem:s23+$0x600];
	v4 =	vadd.f32 v4, v5  }
.LBB2_22:
0xf7: {  	p0 =	sne.s32 s24, $0x9C00;
	v5 =	vld [tilespmem:s23+$0x2D10]  }
0xf8: {  	v1 =	vmul.f32 v1, v4  }
0xf9: {  	v4 =	vld [tilespmem:s23+$0x5420]  }
.Ltmp10:
0xfa: {  	v3 =	vadd.f32 v1, v3;
	(pc) =	sbr.rel @p0 .LBB2_22-.Ltmp10, $4  }
0xfb: {  	v1 =	vld [tilespmem:s23+$0x7B30]  }
0xfc: {  	v5 =	vadd.f32 v5, v2;
	[tilespmem:s22+$0x16590] =	vst v3;
	s22 =	smov.u32 s23  }
0xfd: {  	s23 =	sshra.s32 s24, $0x2;
	v3 =	vld [tilespmem:s22+$0x16590]  }
0xfe: {  	s24 =	sadd.s32 $0x40, s24;
	v2 =	vld [tilespmem:s23+$0x600];
	v4 =	vadd.f32 v4, v5  }
0xff: {  	v5 =	vld [tilespmem:s23+$0x2D10]  }
0x100: {  	v1 =	vmul.f32 v1, v4  }
0x101: {  	v63 =	vld [tilespmem:s23+$0x5420]  }
0x102: {  	v1 =	vadd.f32 v1, v3  }
0x103: {  	v3 =	vld [tilespmem:s23+$0x7B30]  }
0x104: {  	v2 =	vadd.f32 v5, v2;
	[tilespmem:s22+$0x16590] =	vst v1  }
0x105: {  	v1 =	vld [tilespmem:s23+$0x16590]  }
0x106: {  	v2 =	vadd.f32 v63, v2;
	_ =	sdelay $0x1  }
0x107: {  	v2 =	vmul.f32 v3, v2;
	_ =	sdelay $0x1  }
0x108: {  	v1 =	vadd.f32 v2, v1;
	_ =	sdelay $0x1  }
0x109: {  	[tilespmem:s23+$0x16590] =	vst v1  }
0x10a: {  	_ =	swait.ge [sflag:s19], $0x7530  }
0x10b: {  	[sflag:s19] =	ssyncset.done $0x0  }
0x10c: {  	[sflag:s19] =	ssyncadd.s32 $0xFFFF8AD0  }
0x10d: {  	_ =	swait.ge [sflag:s19], $0x2710  }
0x10e: {  	[sflag:s19] =	ssyncset.done $0x0  }
0x10f: {  	[sflag:s19] =	ssyncadd.s32 $0xFFFFD8F0  }
0x110: {  	v1 =	vld [tilespmem:$0x3F0];
	_ =	sdelay $0x4  }
0x111: {  	(v2sf) =	vpush v1, $0x5;
	_ =	sdelay $0xe  }
0x112: {  	s31 =	spop (v2sf)  }
0x113: {  	p0 =	sne.s32 s31, $0x1  }
.Ltmp11:
0x114: {  	_ = 	snop;
	(pc) =	sbr.rel @p0 .LBB2_27-.Ltmp11, $1  }
0x115: {  	_ =	sdelay $0x3  }
0x116: {  	s22 =	simm.s32 $0x0  }
0x117: {  	v2 =	vld [tilespmem:s22+$0x16590]  }
0x118: {  	v3 =	vld [tilespmem:s22+$0x13E80];
	_ =	sdelay $0x1  }
0x119: {  	v4 =	vld [tilespmem:s22+$0x18CA0];
	_ =	sdelay $0x2  }
0x11a: {  	v3 =	vmul.f32 v3, v2  }
0x11b: {  	s23 =	simm.s32 $0x10;
	[tilespmem:s22+$0x16590] =	vst v0  }
0x11c: {  	s24 =	simm.s32 $0x80;
	v2 =	vld [tilespmem:s23+$0x16590];
	v3 =	vadd.f32 v3, v4  }
.LBB2_25:
0x11d: {  	p0 =	sne.s32 s24, $0x9C00;
	v4 =	vld [tilespmem:s23+$0x13E80];
	s25 =	smov.u32 s24;
	s24 =	sadd.s32 $0x40, s24  }
0x11e: {  	[tilespmem:s22+$0x18CA0] =	vst v3;
	s22 =	smov.u32 s23  }
0x11f: {  	v3 =	vld [tilespmem:s22+$0x18CA0]  }
.Ltmp12:
0x120: {  	(pc) =	sbr.rel @p0 .LBB2_25-.Ltmp12, $4  }
0x121: {  	_ = 	snop  }
0x122: {  	v4 =	vmul.f32 v4, v2  }
0x123: {  	s23 =	sshra.s32 s25, $0x2;
	[tilespmem:s22+$0x16590] =	vst v0  }
0x124: {  	v2 =	vld [tilespmem:s23+$0x16590];
	v3 =	vadd.f32 v4, v3  }
0x125: {  	(v2sf) =	vpush v1, $0x3;
	_ =	sdelay $0x9  }
0x126: {  	v1 =	vld [tilespmem:s23+$0x13E80]  }
0x127: {  	[tilespmem:s22+$0x18CA0] =	vst v3  }
0x128: {  	v3 =	vld [tilespmem:s23+$0x18CA0];
	_ =	sdelay $0x2  }
0x129: {  	v1 =	vmul.f32 v1, v2;
	s31 =	spop (v2sf)  }
0x12a: {  	s22 =	smul.u32 $0x2710, s31  }
0x12b: {  	v1 =	vadd.f32 v1, v3  }
0x12c: {  	[tilespmem:s23+$0x16590] =	vst v0;
	s22 =	sshrl.u32 s22, $0x3  }
0x12d: {  	[tilespmem:s23+$0x18CA0] =	vst v1;
	s22 =	sadd.s32 s5, s22  }
0x12e: {  	[tilespmem:s18], [sflag:$0x3] =	stream.linear.gather [hbm4b:s22+s2], $0x2710, $0x38;
	[tilespmem:$0x1B3B0] =	vst v63  }
0x12f: {  	_ =	swait.ge [sflag:s10], $0x2710  }
0x130: {  	[sflag:s10] =	ssyncset.done $0x0  }
0x131: {  	[sflag:s10] =	ssyncadd.s32 $0xFFFFD8F0  }
.LBB2_27:
0x132: {  	s22 =	simm.s32 $0x0  }
0x133: {  	v2 =	vld [tilespmem:s22+$0xA240]  }
0x134: {  	v3 =	vld [tilespmem:s22+$0xC950];
	_ =	sdelay $0x1  }
0x135: {  	v4 =	vld [tilespmem:s22+$0xF060];
	_ =	sdelay $0x1  }
0x136: {  	v1 =	vld [tilespmem:s22+$0x11770]  }
0x137: {  	v5 =	vadd.f32 v3, v2  }
0x138: {  	s23 =	simm.s32 $0x10;
	v3 =	vld [tilespmem:s22+$0x16590]  }
0x139: {  	s24 =	simm.s32 $0x80;
	v2 =	vld [tilespmem:s23+$0xA240];
	v4 =	vadd.f32 v4, v5  }
.LBB2_28:
0x13a: {  	p0 =	sne.s32 s24, $0x9C00;
	v5 =	vld [tilespmem:s23+$0xC950]  }
0x13b: {  	v1 =	vmul.f32 v1, v4  }
0x13c: {  	v4 =	vld [tilespmem:s23+$0xF060]  }
.Ltmp13:
0x13d: {  	v3 =	vadd.f32 v1, v3;
	(pc) =	sbr.rel @p0 .LBB2_28-.Ltmp13, $4  }
0x13e: {  	v1 =	vld [tilespmem:s23+$0x11770]  }
0x13f: {  	v5 =	vadd.f32 v5, v2;
	[tilespmem:s22+$0x16590] =	vst v3;
	s22 =	smov.u32 s23  }
0x140: {  	s23 =	sshra.s32 s24, $0x2;
	v3 =	vld [tilespmem:s22+$0x16590]  }
0x141: {  	s24 =	sadd.s32 $0x40, s24;
	v2 =	vld [tilespmem:s23+$0xA240];
	v4 =	vadd.f32 v4, v5  }
0x142: {  	v5 =	vld [tilespmem:s23+$0xC950]  }
0x143: {  	v1 =	vmul.f32 v1, v4  }
0x144: {  	v63 =	vld [tilespmem:s23+$0xF060]  }
0x145: {  	v1 =	vadd.f32 v1, v3  }
0x146: {  	v3 =	vld [tilespmem:s23+$0x11770]  }
0x147: {  	v2 =	vadd.f32 v5, v2;
	[tilespmem:s22+$0x16590] =	vst v1  }
0x148: {  	v1 =	vld [tilespmem:s23+$0x16590]  }
0x149: {  	v2 =	vadd.f32 v63, v2;
	_ =	sdelay $0x1  }
0x14a: {  	v2 =	vmul.f32 v3, v2;
	_ =	sdelay $0x1  }
0x14b: {  	v1 =	vadd.f32 v2, v1;
	_ =	sdelay $0x1  }
0x14c: {  	s22 =	simm.s32 $0x0;
	[tilespmem:s23+$0x16590] =	vst v1  }
0x14d: {  	v1 =	vld [tilespmem:s22+$0x16590]  }
0x14e: {  	v2 =	vld [tilespmem:s22+$0x13E80];
	_ =	sdelay $0x1  }
0x14f: {  	v3 =	vld [tilespmem:s22+$0x18CA0];
	_ =	sdelay $0x2  }
0x150: {  	v2 =	vmul.f32 v2, v1  }
0x151: {  	s23 =	simm.s32 $0x10;
	[tilespmem:s22+$0x16590] =	vst v0  }
0x152: {  	s24 =	simm.s32 $0x80;
	v1 =	vld [tilespmem:s23+$0x16590];
	v2 =	vadd.f32 v2, v3  }
.LBB2_30:
0x153: {  	p0 =	sne.s32 s24, $0x9C00;
	v3 =	vld [tilespmem:s23+$0x13E80];
	s25 =	smov.u32 s24;
	s24 =	sadd.s32 $0x40, s24  }
0x154: {  	[tilespmem:s22+$0x18CA0] =	vst v2;
	s22 =	smov.u32 s23  }
0x155: {  	v2 =	vld [tilespmem:s22+$0x18CA0]  }
.Ltmp14:
0x156: {  	(pc) =	sbr.rel @p0 .LBB2_30-.Ltmp14, $4  }
0x157: {  	_ = 	snop  }
0x158: {  	v3 =	vmul.f32 v3, v1  }
0x159: {  	s23 =	sshra.s32 s25, $0x2;
	[tilespmem:s22+$0x16590] =	vst v0  }
0x15a: {  	v1 =	vld [tilespmem:s23+$0x16590];
	v2 =	vadd.f32 v3, v2  }
0x15b: {  	v3 =	vld [tilespmem:s23+$0x13E80]  }
0x15c: {  	[tilespmem:s22+$0x18CA0] =	vst v2  }
0x15d: {  	v2 =	vld [tilespmem:s23+$0x18CA0];
	_ =	sdelay $0x2  }
0x15e: {  	v1 =	vmul.f32 v3, v1;
	_ =	sdelay $0x1  }
0x15f: {  	s21 =	sadd.s32 $0x1, s21;
	v1 =	vadd.f32 v1, v2  }
0x160: {  	p0 =	sne.s32 s21, s9;
	[tilespmem:s23+$0x16590] =	vst v0  }
.Ltmp15:
0x161: {  	[tilespmem:s23+$0x18CA0] =	vst v1;
	(pc) =	sbr.rel @p0 .LBB2_1-.Ltmp15, $4  }
0x162: {  	[hbm4b:s8+s2] =	stream.linear.scatter [tilespmem:s20], [sflag:$0x3], $0x2710, $0x38;
	[tilespmem:$0x1B3B0] =	vst v63  }
0x163: {  	_ =	swait.ge [sflag:s10], $0x2710  }
0x164: {  	[sflag:s10] =	ssyncset.done $0x0  }
0x165: {  	[sflag:s10] =	ssyncadd.s32 $0xFFFFD8F0  }
0x166: {  	_ =	sfence.sel $0x180000  }
0x167: {  	[bflag:$0x0] =	sbarrier.arrive $0xFFFF  }
0x168: {  	p0 =	sne.s32 s0, $0x0;
	_ =	strace $0x9000004D  }
0x169: {  	s0 =	sadd.s32 @!p0 $0x100000, s1;
	[bflag:$0x2] =	sbarrier.arrive $0xFFFF  }
0x16a: {  	[sflag:s0] =	ssyncadd.tile.s32 @!p0 $0x1;
	_ =	shalt  }
.Lfunc_end2:
_tile_overlayer_lowered:
.L_overlay_start_2:
0x16b: {  	(tag) =	ssettag $0x2  }
0x16c: {  	s0 =	rddreg [dreg:$0x0];
	s2 =	stileid.u32  }
0x16d: {  	s1 =	rddreg [dreg:$0x1];
	p0 =	sne.s32 s2, $0x0  }
0x16e: {  	s3 =	rddreg [dreg:$0x2];
	[bflag:$0x3] =	sbarrier.arrive $0xFFFF;
	s2 =	simm.s32 @!p0 $0x1C03  }
0x16f: {  	[timem:s3], [sflag:s2] =	dma.local @!p0 [hbm:s0], s1  }
0x170: {  	s0 =	simm.s32 @!p0 $0x3  }
0x171: {  	_ =	swait.ge @!p0 [sflag:s0], s1  }
0x172: {  	s1 =	ssub.s32 @!p0 $0x0, s1;
	[sflag:s0] =	ssyncset.done @!p0 $0x0  }
0x173: {  	[sflag:s0] =	ssyncadd.s32 @!p0 s1  }
0x174: {  	[bflag:$0x3] =	sbarrier.arrive $0xFFFF  }
0x175: {  	_ =	shalt  }

</sc_bundles>
